<compile_context>
chip_gen: v7x
topology: tpu7x:2x2x1
jax: 0.10.2.dev20260603
libtpu: 0.0.44.dev20260713+nightly
codegen_flags: <defaults>
</compile_context>

<pallas_src>
import functools

import jax
import jax.numpy as jnp
from jax import lax
from jax.experimental import pallas as pl
from jax.experimental.pallas import tpu as pltpu
from jax.experimental.pallas import tpu_sc as plsc

N = 100000
HIDDEN = 128
NUM_CORES = 2
NUM_SUBCORES = 16
NW = NUM_CORES * NUM_SUBCORES
BLK = 448
STEPS = 7
SPAN = BLK * STEPS


def _sc_lookup(idx, table):
  mesh = plsc.VectorSubcoreMesh(core_axis_name="c", subcore_axis_name="s")

  @functools.partial(
      pl.kernel,
      mesh=mesh,
      out_type=jax.ShapeDtypeStruct((N, HIDDEN), jnp.float32),
      scratch_types=[
          pltpu.VMEM_SHARED((20, HIDDEN), jnp.float32),
          pltpu.VMEM((SPAN,), jnp.int32),
          pltpu.VMEM((2, BLK, HIDDEN), jnp.float32),
          pltpu.SemaphoreType.DMA,
          pltpu.SemaphoreType.DMA,
          pltpu.SemaphoreType.DMA,
          pltpu.SemaphoreType.DMA,
          pltpu.SemaphoreType.DMA,
      ],
  )
  def k(idx_hbm, table_hbm, out_hbm, table_v, idx_v, rows_v,
        isem, gsem0, gsem1, ssem0, ssem1):
    wid = lax.axis_index("s") * NUM_CORES + lax.axis_index("c")
    gsems = (gsem0, gsem1)
    ssems = (ssem0, ssem1)

    start = jnp.minimum((wid * (N // NW) // 8) * 8, N - SPAN)

    idx_h = pltpu.async_copy(idx_hbm.at[pl.ds(start, SPAN)], idx_v, isem)

    @pl.when(lax.axis_index("s") == 0)
    def _():
      pltpu.sync_copy(table_hbm, table_v)

    plsc.subcore_barrier()
    idx_h.wait()

    store_h = [None, None]
    for step in range(STEPS):
      buf = step % 2
      base = start + step * BLK
      if store_h[buf] is not None:
        store_h[buf].wait()
      pltpu.async_copy(
          table_v.at[idx_v.at[pl.ds(step * BLK, BLK)]],
          rows_v.at[buf],
          gsems[buf]).wait()
      store_h[buf] = pltpu.async_copy(
          rows_v.at[buf], out_hbm.at[pl.ds(base, BLK)], ssems[buf])

    store_h[0].wait()
    store_h[1].wait()

  return k(idx, table)


def kernel(node_degree, degree_emb):
  return _sc_lookup(node_degree.astype(jnp.int32), degree_emb)

# --- scband reference (transcript-rebuilt; emitter-appended) ---
"""Pipeline reference for scband-mlpdegree-encoder-75024488726877 (READ-ONLY COPY).

The authoritative reference and input builder live on the scoring server;
editing this copy changes nothing except your own understanding.
"""

import jax, jax.numpy as jnp
import numpy as np

HIDDEN_DIM = 128
NUM_DEGREES = 20
N_NODES = 100000

def setup_inputs(seed: int = 0) -> dict:
    key = jax.random.key(seed)
    k1, k2 = jax.random.split(key)
    node_degree = jax.random.randint(k1, (N_NODES,), 0, NUM_DEGREES, dtype=jnp.int64 if jax.config.read('jax_enable_x64') else jnp.int32)
    degree_emb = jax.random.normal(k2, (NUM_DEGREES, HIDDEN_DIM), dtype=jnp.float32)
    return {"node_degree": node_degree, "degree_emb": degree_emb}

def reference(node_degree, degree_emb):
    # Faithful translation of MLPDegreeEncoder.forward: x = self.degree_emb(node_degree)
    x = jnp.take(degree_emb, node_degree, axis=0)
    return x

if __name__ == "__main__":
    import jax
    _d = setup_inputs()
    print(jax.jit(kernel)(*tuple(_d.values())))

</pallas_src>

<mosaic_0001>
#map = affine_map<(d0, d1) -> (0)>
#map1 = affine_map<(d0, d1) -> (0, 0)>
module attributes {stable_mosaic.version = 14 : i64} {
  func.func @k(%arg0: i32, %arg1: i32, %arg2: memref<100000xi32, #tpu.memory_space<hbm>>, %arg3: memref<20x128xf32, #tpu.memory_space<hbm>>, %arg4: memref<100000x128xf32, #tpu.memory_space<hbm>>, %arg5: memref<20x128xf32, #tpu.memory_space<vmem_shared>>, %arg6: memref<3136xi32, #tpu.memory_space<vmem>>, %arg7: memref<2x448x128xf32, #tpu.memory_space<vmem>>, %arg8: memref<!tpu.dma_semaphore, #tpu.memory_space<semaphore_mem>>, %arg9: memref<!tpu.dma_semaphore, #tpu.memory_space<semaphore_mem>>, %arg10: memref<!tpu.dma_semaphore, #tpu.memory_space<semaphore_mem>>, %arg11: memref<!tpu.dma_semaphore, #tpu.memory_space<semaphore_mem>>, %arg12: memref<!tpu.dma_semaphore, #tpu.memory_space<semaphore_mem>>) attributes {dimension_semantics = [#tpu.dimension_semantics<core_parallel>, #tpu.dimension_semantics<subcore_parallel>], iteration_bounds = array<i64: 2, 16>, scalar_prefetch = 0 : i64, scratch_operands = 8 : i64, tpu.core_type = #tpu.core_type<sc_vector_subcore>, window_params = [{transform_indices = #map}, {transform_indices = #map1}, {transform_indices = #map1}]} {
    %mul3A = arith.constant 2 : i32
    %mul3A_0 = arith.muli %arg1, %mul3A : i32
    %add3A = arith.addi %mul3A_0, %arg0 : i32
    %mul3A_1 = arith.constant 3125 : i32
    %mul3A_2 = arith.muli %add3A, %mul3A_1 : i32
    %jit3A = arith.constant 8 : i32
    %div3A = arith.divsi %mul3A_2, %jit3A : i32
    %sign3A = arith.constant 0 : i32
    %sign3A_3 = arith.cmpi sgt, %mul3A_2, %sign3A : i32
    %sign3A_4 = arith.extui %sign3A_3 : i1 to i32
    %sign3A_5 = arith.constant 0 : i32
    %sign3A_6 = arith.cmpi slt, %mul3A_2, %sign3A_5 : i32
    %sign3A_7 = arith.extui %sign3A_6 : i1 to i32
    %sign3A_8 = arith.subi %sign3A_4, %sign3A_7 : i32
    %sign3A_9 = arith.constant 0 : i32
    %sign3A_10 = arith.cmpi sgt, %jit3A, %sign3A_9 : i32
    %sign3A_11 = arith.extui %sign3A_10 : i1 to i32
    %sign3A_12 = arith.constant 0 : i32
    %sign3A_13 = arith.cmpi slt, %jit3A, %sign3A_12 : i32
    %sign3A_14 = arith.extui %sign3A_13 : i1 to i32
    %sign3A_15 = arith.subi %sign3A_11, %sign3A_14 : i32
    %ne3A = arith.cmpi ne, %sign3A_8, %sign3A_15 : i32
    %rem3A = arith.remsi %mul3A_2, %jit3A : i32
    %ne3A_16 = arith.constant 0 : i32
    %ne3A_17 = arith.cmpi ne, %rem3A, %ne3A_16 : i32
    %and3A = arith.andi %ne3A, %ne3A_17 : i1
    %sub3A = arith.constant 1 : i32
    %sub3A_18 = arith.subi %div3A, %sub3A : i32
    %select_n3A = arith.select %and3A, %sub3A_18, %div3A : i32
    %mul3A_19 = arith.constant 8 : i32
    %mul3A_20 = arith.muli %select_n3A, %mul3A_19 : i32
    %min3A = arith.constant 96864 : i32
    %min3A_21 = arith.minsi %mul3A_20, %min3A : i32
    %dma_start3A = tpu.memref_slice %arg2[%min3A_21] : memref<100000xi32, #tpu.memory_space<hbm>> -> memref<3136xi32, #tpu.memory_space<hbm>>
    %dma_start3A_22 = tpu.memref_slice %arg2[%min3A_21] : memref<100000xi32, #tpu.memory_space<hbm>> -> memref<3136xi32, #tpu.memory_space<hbm>>
    tpu.enqueue_dma source(%dma_start3A_22 : memref<3136xi32, #tpu.memory_space<hbm>>) target(%arg6 : memref<3136xi32, #tpu.memory_space<vmem>>) target_semaphore(%arg8 : memref<!tpu.dma_semaphore, #tpu.memory_space<semaphore_mem>>)
    %eq3A = arith.constant 0 : i32
    %eq3A_23 = arith.cmpi eq, %arg1, %eq3A : i32
    %convert_element_type3A = arith.extui %eq3A_23 : i1 to i32
    %cond3A = arith.constant 0 : i32
    %cond3A_24 = arith.cmpi ne, %convert_element_type3A, %cond3A : i32
    scf.if %cond3A_24 {
      "tpu.region"() ({
        %run_scoped3A = tpu.sem_alloc : memref<!tpu.dma_semaphore, #tpu.memory_space<semaphore_mem>>
        tpu.enqueue_dma source(%arg3 : memref<20x128xf32, #tpu.memory_space<hbm>>) target(%arg5 : memref<20x128xf32, #tpu.memory_space<vmem_shared>>) target_semaphore(%run_scoped3A : memref<!tpu.dma_semaphore, #tpu.memory_space<semaphore_mem>>)
        tpu.wait_dma2 semaphore(%run_scoped3A : memref<!tpu.dma_semaphore, #tpu.memory_space<semaphore_mem>>) src(%arg3 : memref<20x128xf32, #tpu.memory_space<hbm>>) dst(%arg5 : memref<20x128xf32, #tpu.memory_space<vmem_shared>>)
        tpu.yield
      }) : () -> ()
    } else {
    }
    %barrier3A = arith.constant 0 : index
    tpu.barrier barrier_id(%barrier3A)
    %dma_wait3A = tpu.memref_slice %arg2[%min3A_21] : memref<100000xi32, #tpu.memory_space<hbm>> -> memref<3136xi32, #tpu.memory_space<hbm>>
    %dma_wait3A_25 = tpu.memref_slice %arg2[%min3A_21] : memref<100000xi32, #tpu.memory_space<hbm>> -> memref<3136xi32, #tpu.memory_space<hbm>>
    tpu.wait_dma2 semaphore(%arg8 : memref<!tpu.dma_semaphore, #tpu.memory_space<semaphore_mem>>) src(%dma_wait3A_25 : memref<3136xi32, #tpu.memory_space<hbm>>) dst(%arg6 : memref<3136xi32, #tpu.memory_space<vmem>>)
    %add3A_26 = arith.constant 0 : i32
    %add3A_27 = arith.addi %min3A_21, %add3A_26 : i32
    %dma_start3A_28 = arith.constant 0 : i32
    %dma_start3A_29 = arith.constant 0 : i32
    %dma_start3A_30 = arith.constant 0 : i32
    %dma_start3A_31 = tpu.memref_slice %arg7[%dma_start3A_28, %dma_start3A_29, %dma_start3A_30] : memref<2x448x128xf32, #tpu.memory_space<vmem>> -> memref<1x448x128xf32, #tpu.memory_space<vmem>>
    %dma_start3A_32 = tpu.memref_squeeze %dma_start3A_31 : memref<1x448x128xf32, #tpu.memory_space<vmem>> -> memref<448x128xf32, #tpu.memory_space<vmem>>
    %dma_start3A_33 = arith.constant 0 : i32
    %dma_start3A_34 = tpu.memref_slice %arg6[%dma_start3A_33] : memref<3136xi32, #tpu.memory_space<vmem>> -> memref<448xi32, #tpu.memory_space<vmem>>
    %dma_start3A_35 = arith.constant 0 : i32
    %dma_start3A_36 = arith.constant 0 : i32
    %dma_start3A_37 = tpu.memref_slice %arg5[%dma_start3A_35, %dma_start3A_36] : memref<20x128xf32, #tpu.memory_space<vmem_shared>> -> memref<20x128xf32, #tpu.memory_space<vmem_shared>>
    tpu.enqueue_indirect_dma source(%dma_start3A_37 : memref<20x128xf32, #tpu.memory_space<vmem_shared>>) target(%dma_start3A_32 : memref<448x128xf32, #tpu.memory_space<vmem>>) offsets(%dma_start3A_34 : memref<448xi32, #tpu.memory_space<vmem>>) semaphore(%arg9 : memref<!tpu.dma_semaphore, #tpu.memory_space<semaphore_mem>>)
    %dma_wait3A_38 = arith.constant 0 : i32
    %dma_wait3A_39 = arith.constant 0 : i32
    %dma_wait3A_40 = arith.constant 0 : i32
    %dma_wait3A_41 = tpu.memref_slice %arg7[%dma_wait3A_38, %dma_wait3A_39, %dma_wait3A_40] : memref<2x448x128xf32, #tpu.memory_space<vmem>> -> memref<1x448x128xf32, #tpu.memory_space<vmem>>
    %dma_wait3A_42 = tpu.memref_squeeze %dma_wait3A_41 : memref<1x448x128xf32, #tpu.memory_space<vmem>> -> memref<448x128xf32, #tpu.memory_space<vmem>>
    %dma_wait3A_43 = arith.constant 0 : i32
    %dma_wait3A_44 = tpu.memref_slice %arg6[%dma_wait3A_43] : memref<3136xi32, #tpu.memory_space<vmem>> -> memref<448xi32, #tpu.memory_space<vmem>>
    %dma_wait3A_45 = arith.constant 0 : i32
    %dma_wait3A_46 = arith.constant 0 : i32
    %dma_wait3A_47 = tpu.memref_slice %arg5[%dma_wait3A_45, %dma_wait3A_46] : memref<20x128xf32, #tpu.memory_space<vmem_shared>> -> memref<20x128xf32, #tpu.memory_space<vmem_shared>>
    tpu.wait_indirect_dma semaphore(%arg9 : memref<!tpu.dma_semaphore, #tpu.memory_space<semaphore_mem>>) src(%dma_wait3A_47 : memref<20x128xf32, #tpu.memory_space<vmem_shared>>) dst(%dma_wait3A_42 : memref<448x128xf32, #tpu.memory_space<vmem>>)
    %dma_start3A_48 = arith.constant 0 : i32
    %dma_start3A_49 = arith.constant 0 : i32
    %dma_start3A_50 = arith.constant 0 : i32
    %dma_start3A_51 = tpu.memref_slice %arg7[%dma_start3A_48, %dma_start3A_49, %dma_start3A_50] : memref<2x448x128xf32, #tpu.memory_space<vmem>> -> memref<1x448x128xf32, #tpu.memory_space<vmem>>
    %dma_start3A_52 = tpu.memref_squeeze %dma_start3A_51 : memref<1x448x128xf32, #tpu.memory_space<vmem>> -> memref<448x128xf32, #tpu.memory_space<vmem>>
    %dma_start3A_53 = arith.constant 0 : i32
    %dma_start3A_54 = tpu.memref_slice %arg4[%add3A_27, %dma_start3A_53] : memref<100000x128xf32, #tpu.memory_space<hbm>> -> memref<448x128xf32, #tpu.memory_space<hbm>>
    %dma_start3A_55 = arith.constant 0 : i32
    %dma_start3A_56 = tpu.memref_slice %arg4[%add3A_27, %dma_start3A_55] : memref<100000x128xf32, #tpu.memory_space<hbm>> -> memref<448x128xf32, #tpu.memory_space<hbm>>
    %dma_start3A_57 = arith.constant 0 : i32
    %dma_start3A_58 = arith.constant 0 : i32
    %dma_start3A_59 = tpu.memref_slice %arg7[%dma_start3A_48, %dma_start3A_57, %dma_start3A_58] : memref<2x448x128xf32, #tpu.memory_space<vmem>> -> memref<1x448x128xf32, #tpu.memory_space<vmem>>
    %dma_start3A_60 = tpu.memref_squeeze %dma_start3A_59 : memref<1x448x128xf32, #tpu.memory_space<vmem>> -> memref<448x128xf32, #tpu.memory_space<vmem>>
    tpu.enqueue_dma source(%dma_start3A_60 : memref<448x128xf32, #tpu.memory_space<vmem>>) target(%dma_start3A_56 : memref<448x128xf32, #tpu.memory_space<hbm>>) target_semaphore(%arg11 : memref<!tpu.dma_semaphore, #tpu.memory_space<semaphore_mem>>)
    %add3A_61 = arith.constant 448 : i32
    %add3A_62 = arith.addi %min3A_21, %add3A_61 : i32
    %dma_start3A_63 = arith.constant 1 : i32
    %dma_start3A_64 = arith.constant 0 : i32
    %dma_start3A_65 = arith.constant 0 : i32
    %dma_start3A_66 = tpu.memref_slice %arg7[%dma_start3A_63, %dma_start3A_64, %dma_start3A_65] : memref<2x448x128xf32, #tpu.memory_space<vmem>> -> memref<1x448x128xf32, #tpu.memory_space<vmem>>
    %dma_start3A_67 = tpu.memref_squeeze %dma_start3A_66 : memref<1x448x128xf32, #tpu.memory_space<vmem>> -> memref<448x128xf32, #tpu.memory_space<vmem>>
    %dma_start3A_68 = arith.constant 448 : i32
    %dma_start3A_69 = tpu.memref_slice %arg6[%dma_start3A_68] : memref<3136xi32, #tpu.memory_space<vmem>> -> memref<448xi32, #tpu.memory_space<vmem>>
    %dma_start3A_70 = arith.constant 0 : i32
    %dma_start3A_71 = arith.constant 0 : i32
    %dma_start3A_72 = tpu.memref_slice %arg5[%dma_start3A_70, %dma_start3A_71] : memref<20x128xf32, #tpu.memory_space<vmem_shared>> -> memref<20x128xf32, #tpu.memory_space<vmem_shared>>
    tpu.enqueue_indirect_dma source(%dma_start3A_72 : memref<20x128xf32, #tpu.memory_space<vmem_shared>>) target(%dma_start3A_67 : memref<448x128xf32, #tpu.memory_space<vmem>>) offsets(%dma_start3A_69 : memref<448xi32, #tpu.memory_space<vmem>>) semaphore(%arg10 : memref<!tpu.dma_semaphore, #tpu.memory_space<semaphore_mem>>)
    %dma_wait3A_73 = arith.constant 1 : i32
    %dma_wait3A_74 = arith.constant 0 : i32
    %dma_wait3A_75 = arith.constant 0 : i32
    %dma_wait3A_76 = tpu.memref_slice %arg7[%dma_wait3A_73, %dma_wait3A_74, %dma_wait3A_75] : memref<2x448x128xf32, #tpu.memory_space<vmem>> -> memref<1x448x128xf32, #tpu.memory_space<vmem>>
    %dma_wait3A_77 = tpu.memref_squeeze %dma_wait3A_76 : memref<1x448x128xf32, #tpu.memory_space<vmem>> -> memref<448x128xf32, #tpu.memory_space<vmem>>
    %dma_wait3A_78 = arith.constant 448 : i32
    %dma_wait3A_79 = tpu.memref_slice %arg6[%dma_wait3A_78] : memref<3136xi32, #tpu.memory_space<vmem>> -> memref<448xi32, #tpu.memory_space<vmem>>
    %dma_wait3A_80 = arith.constant 0 : i32
    %dma_wait3A_81 = arith.constant 0 : i32
    %dma_wait3A_82 = tpu.memref_slice %arg5[%dma_wait3A_80, %dma_wait3A_81] : memref<20x128xf32, #tpu.memory_space<vmem_shared>> -> memref<20x128xf32, #tpu.memory_space<vmem_shared>>
    tpu.wait_indirect_dma semaphore(%arg10 : memref<!tpu.dma_semaphore, #tpu.memory_space<semaphore_mem>>) src(%dma_wait3A_82 : memref<20x128xf32, #tpu.memory_space<vmem_shared>>) dst(%dma_wait3A_77 : memref<448x128xf32, #tpu.memory_space<vmem>>)
    %dma_start3A_83 = arith.constant 1 : i32
    %dma_start3A_84 = arith.constant 0 : i32
    %dma_start3A_85 = arith.constant 0 : i32
    %dma_start3A_86 = tpu.memref_slice %arg7[%dma_start3A_83, %dma_start3A_84, %dma_start3A_85] : memref<2x448x128xf32, #tpu.memory_space<vmem>> -> memref<1x448x128xf32, #tpu.memory_space<vmem>>
    %dma_start3A_87 = tpu.memref_squeeze %dma_start3A_86 : memref<1x448x128xf32, #tpu.memory_space<vmem>> -> memref<448x128xf32, #tpu.memory_space<vmem>>
    %dma_start3A_88 = arith.constant 0 : i32
    %dma_start3A_89 = tpu.memref_slice %arg4[%add3A_62, %dma_start3A_88] : memref<100000x128xf32, #tpu.memory_space<hbm>> -> memref<448x128xf32, #tpu.memory_space<hbm>>
    %dma_start3A_90 = arith.constant 0 : i32
    %dma_start3A_91 = tpu.memref_slice %arg4[%add3A_62, %dma_start3A_90] : memref<100000x128xf32, #tpu.memory_space<hbm>> -> memref<448x128xf32, #tpu.memory_space<hbm>>
    %dma_start3A_92 = arith.constant 0 : i32
    %dma_start3A_93 = arith.constant 0 : i32
    %dma_start3A_94 = tpu.memref_slice %arg7[%dma_start3A_83, %dma_start3A_92, %dma_start3A_93] : memref<2x448x128xf32, #tpu.memory_space<vmem>> -> memref<1x448x128xf32, #tpu.memory_space<vmem>>
    %dma_start3A_95 = tpu.memref_squeeze %dma_start3A_94 : memref<1x448x128xf32, #tpu.memory_space<vmem>> -> memref<448x128xf32, #tpu.memory_space<vmem>>
    tpu.enqueue_dma source(%dma_start3A_95 : memref<448x128xf32, #tpu.memory_space<vmem>>) target(%dma_start3A_91 : memref<448x128xf32, #tpu.memory_space<hbm>>) target_semaphore(%arg12 : memref<!tpu.dma_semaphore, #tpu.memory_space<semaphore_mem>>)
    %add3A_96 = arith.constant 896 : i32
    %add3A_97 = arith.addi %min3A_21, %add3A_96 : i32
    %dma_wait3A_98 = arith.constant 0 : i32
    %dma_wait3A_99 = arith.constant 0 : i32
    %dma_wait3A_100 = arith.constant 0 : i32
    %dma_wait3A_101 = tpu.memref_slice %arg7[%dma_wait3A_98, %dma_wait3A_99, %dma_wait3A_100] : memref<2x448x128xf32, #tpu.memory_space<vmem>> -> memref<1x448x128xf32, #tpu.memory_space<vmem>>
    %dma_wait3A_102 = tpu.memref_squeeze %dma_wait3A_101 : memref<1x448x128xf32, #tpu.memory_space<vmem>> -> memref<448x128xf32, #tpu.memory_space<vmem>>
    %dma_wait3A_103 = arith.constant 0 : i32
    %dma_wait3A_104 = tpu.memref_slice %arg4[%add3A_27, %dma_wait3A_103] : memref<100000x128xf32, #tpu.memory_space<hbm>> -> memref<448x128xf32, #tpu.memory_space<hbm>>
    %dma_wait3A_105 = arith.constant 0 : i32
    %dma_wait3A_106 = tpu.memref_slice %arg4[%add3A_27, %dma_wait3A_105] : memref<100000x128xf32, #tpu.memory_space<hbm>> -> memref<448x128xf32, #tpu.memory_space<hbm>>
    %dma_wait3A_107 = arith.constant 0 : i32
    %dma_wait3A_108 = arith.constant 0 : i32
    %dma_wait3A_109 = tpu.memref_slice %arg7[%dma_wait3A_98, %dma_wait3A_107, %dma_wait3A_108] : memref<2x448x128xf32, #tpu.memory_space<vmem>> -> memref<1x448x128xf32, #tpu.memory_space<vmem>>
    %dma_wait3A_110 = tpu.memref_squeeze %dma_wait3A_109 : memref<1x448x128xf32, #tpu.memory_space<vmem>> -> memref<448x128xf32, #tpu.memory_space<vmem>>
    tpu.wait_dma2 semaphore(%arg11 : memref<!tpu.dma_semaphore, #tpu.memory_space<semaphore_mem>>) src(%dma_wait3A_110 : memref<448x128xf32, #tpu.memory_space<vmem>>) dst(%dma_wait3A_106 : memref<448x128xf32, #tpu.memory_space<hbm>>)
    %dma_start3A_111 = arith.constant 0 : i32
    %dma_start3A_112 = arith.constant 0 : i32
    %dma_start3A_113 = arith.constant 0 : i32
    %dma_start3A_114 = tpu.memref_slice %arg7[%dma_start3A_111, %dma_start3A_112, %dma_start3A_113] : memref<2x448x128xf32, #tpu.memory_space<vmem>> -> memref<1x448x128xf32, #tpu.memory_space<vmem>>
    %dma_start3A_115 = tpu.memref_squeeze %dma_start3A_114 : memref<1x448x128xf32, #tpu.memory_space<vmem>> -> memref<448x128xf32, #tpu.memory_space<vmem>>
    %dma_start3A_116 = arith.constant 896 : i32
    %dma_start3A_117 = tpu.memref_slice %arg6[%dma_start3A_116] : memref<3136xi32, #tpu.memory_space<vmem>> -> memref<448xi32, #tpu.memory_space<vmem>>
    %dma_start3A_118 = arith.constant 0 : i32
    %dma_start3A_119 = arith.constant 0 : i32
    %dma_start3A_120 = tpu.memref_slice %arg5[%dma_start3A_118, %dma_start3A_119] : memref<20x128xf32, #tpu.memory_space<vmem_shared>> -> memref<20x128xf32, #tpu.memory_space<vmem_shared>>
    tpu.enqueue_indirect_dma source(%dma_start3A_120 : memref<20x128xf32, #tpu.memory_space<vmem_shared>>) target(%dma_start3A_115 : memref<448x128xf32, #tpu.memory_space<vmem>>) offsets(%dma_start3A_117 : memref<448xi32, #tpu.memory_space<vmem>>) semaphore(%arg9 : memref<!tpu.dma_semaphore, #tpu.memory_space<semaphore_mem>>)
    %dma_wait3A_121 = arith.constant 0 : i32
    %dma_wait3A_122 = arith.constant 0 : i32
    %dma_wait3A_123 = arith.constant 0 : i32
    %dma_wait3A_124 = tpu.memref_slice %arg7[%dma_wait3A_121, %dma_wait3A_122, %dma_wait3A_123] : memref<2x448x128xf32, #tpu.memory_space<vmem>> -> memref<1x448x128xf32, #tpu.memory_space<vmem>>
    %dma_wait3A_125 = tpu.memref_squeeze %dma_wait3A_124 : memref<1x448x128xf32, #tpu.memory_space<vmem>> -> memref<448x128xf32, #tpu.memory_space<vmem>>
    %dma_wait3A_126 = arith.constant 896 : i32
    %dma_wait3A_127 = tpu.memref_slice %arg6[%dma_wait3A_126] : memref<3136xi32, #tpu.memory_space<vmem>> -> memref<448xi32, #tpu.memory_space<vmem>>
    %dma_wait3A_128 = arith.constant 0 : i32
    %dma_wait3A_129 = arith.constant 0 : i32
    %dma_wait3A_130 = tpu.memref_slice %arg5[%dma_wait3A_128, %dma_wait3A_129] : memref<20x128xf32, #tpu.memory_space<vmem_shared>> -> memref<20x128xf32, #tpu.memory_space<vmem_shared>>
    tpu.wait_indirect_dma semaphore(%arg9 : memref<!tpu.dma_semaphore, #tpu.memory_space<semaphore_mem>>) src(%dma_wait3A_130 : memref<20x128xf32, #tpu.memory_space<vmem_shared>>) dst(%dma_wait3A_125 : memref<448x128xf32, #tpu.memory_space<vmem>>)
    %dma_start3A_131 = arith.constant 0 : i32
    %dma_start3A_132 = arith.constant 0 : i32
    %dma_start3A_133 = arith.constant 0 : i32
    %dma_start3A_134 = tpu.memref_slice %arg7[%dma_start3A_131, %dma_start3A_132, %dma_start3A_133] : memref<2x448x128xf32, #tpu.memory_space<vmem>> -> memref<1x448x128xf32, #tpu.memory_space<vmem>>
    %dma_start3A_135 = tpu.memref_squeeze %dma_start3A_134 : memref<1x448x128xf32, #tpu.memory_space<vmem>> -> memref<448x128xf32, #tpu.memory_space<vmem>>
    %dma_start3A_136 = arith.constant 0 : i32
    %dma_start3A_137 = tpu.memref_slice %arg4[%add3A_97, %dma_start3A_136] : memref<100000x128xf32, #tpu.memory_space<hbm>> -> memref<448x128xf32, #tpu.memory_space<hbm>>
    %dma_start3A_138 = arith.constant 0 : i32
    %dma_start3A_139 = tpu.memref_slice %arg4[%add3A_97, %dma_start3A_138] : memref<100000x128xf32, #tpu.memory_space<hbm>> -> memref<448x128xf32, #tpu.memory_space<hbm>>
    %dma_start3A_140 = arith.constant 0 : i32
    %dma_start3A_141 = arith.constant 0 : i32
    %dma_start3A_142 = tpu.memref_slice %arg7[%dma_start3A_131, %dma_start3A_140, %dma_start3A_141] : memref<2x448x128xf32, #tpu.memory_space<vmem>> -> memref<1x448x128xf32, #tpu.memory_space<vmem>>
    %dma_start3A_143 = tpu.memref_squeeze %dma_start3A_142 : memref<1x448x128xf32, #tpu.memory_space<vmem>> -> memref<448x128xf32, #tpu.memory_space<vmem>>
    tpu.enqueue_dma source(%dma_start3A_143 : memref<448x128xf32, #tpu.memory_space<vmem>>) target(%dma_start3A_139 : memref<448x128xf32, #tpu.memory_space<hbm>>) target_semaphore(%arg11 : memref<!tpu.dma_semaphore, #tpu.memory_space<semaphore_mem>>)
    %add3A_144 = arith.constant 1344 : i32
    %add3A_145 = arith.addi %min3A_21, %add3A_144 : i32
    %dma_wait3A_146 = arith.constant 1 : i32
    %dma_wait3A_147 = arith.constant 0 : i32
    %dma_wait3A_148 = arith.constant 0 : i32
    %dma_wait3A_149 = tpu.memref_slice %arg7[%dma_wait3A_146, %dma_wait3A_147, %dma_wait3A_148] : memref<2x448x128xf32, #tpu.memory_space<vmem>> -> memref<1x448x128xf32, #tpu.memory_space<vmem>>
    %dma_wait3A_150 = tpu.memref_squeeze %dma_wait3A_149 : memref<1x448x128xf32, #tpu.memory_space<vmem>> -> memref<448x128xf32, #tpu.memory_space<vmem>>
    %dma_wait3A_151 = arith.constant 0 : i32
    %dma_wait3A_152 = tpu.memref_slice %arg4[%add3A_62, %dma_wait3A_151] : memref<100000x128xf32, #tpu.memory_space<hbm>> -> memref<448x128xf32, #tpu.memory_space<hbm>>
    %dma_wait3A_153 = arith.constant 0 : i32
    %dma_wait3A_154 = tpu.memref_slice %arg4[%add3A_62, %dma_wait3A_153] : memref<100000x128xf32, #tpu.memory_space<hbm>> -> memref<448x128xf32, #tpu.memory_space<hbm>>
    %dma_wait3A_155 = arith.constant 0 : i32
    %dma_wait3A_156 = arith.constant 0 : i32
    %dma_wait3A_157 = tpu.memref_slice %arg7[%dma_wait3A_146, %dma_wait3A_155, %dma_wait3A_156] : memref<2x448x128xf32, #tpu.memory_space<vmem>> -> memref<1x448x128xf32, #tpu.memory_space<vmem>>
    %dma_wait3A_158 = tpu.memref_squeeze %dma_wait3A_157 : memref<1x448x128xf32, #tpu.memory_space<vmem>> -> memref<448x128xf32, #tpu.memory_space<vmem>>
    tpu.wait_dma2 semaphore(%arg12 : memref<!tpu.dma_semaphore, #tpu.memory_space<semaphore_mem>>) src(%dma_wait3A_158 : memref<448x128xf32, #tpu.memory_space<vmem>>) dst(%dma_wait3A_154 : memref<448x128xf32, #tpu.memory_space<hbm>>)
    %dma_start3A_159 = arith.constant 1 : i32
    %dma_start3A_160 = arith.constant 0 : i32
    %dma_start3A_161 = arith.constant 0 : i32
    %dma_start3A_162 = tpu.memref_slice %arg7[%dma_start3A_159, %dma_start3A_160, %dma_start3A_161] : memref<2x448x128xf32, #tpu.memory_space<vmem>> -> memref<1x448x128xf32, #tpu.memory_space<vmem>>
    %dma_start3A_163 = tpu.memref_squeeze %dma_start3A_162 : memref<1x448x128xf32, #tpu.memory_space<vmem>> -> memref<448x128xf32, #tpu.memory_space<vmem>>
    %dma_start3A_164 = arith.constant 1344 : i32
    %dma_start3A_165 = tpu.memref_slice %arg6[%dma_start3A_164] : memref<3136xi32, #tpu.memory_space<vmem>> -> memref<448xi32, #tpu.memory_space<vmem>>
    %dma_start3A_166 = arith.constant 0 : i32
    %dma_start3A_167 = arith.constant 0 : i32
    %dma_start3A_168 = tpu.memref_slice %arg5[%dma_start3A_166, %dma_start3A_167] : memref<20x128xf32, #tpu.memory_space<vmem_shared>> -> memref<20x128xf32, #tpu.memory_space<vmem_shared>>
    tpu.enqueue_indirect_dma source(%dma_start3A_168 : memref<20x128xf32, #tpu.memory_space<vmem_shared>>) target(%dma_start3A_163 : memref<448x128xf32, #tpu.memory_space<vmem>>) offsets(%dma_start3A_165 : memref<448xi32, #tpu.memory_space<vmem>>) semaphore(%arg10 : memref<!tpu.dma_semaphore, #tpu.memory_space<semaphore_mem>>)
    %dma_wait3A_169 = arith.constant 1 : i32
    %dma_wait3A_170 = arith.constant 0 : i32
    %dma_wait3A_171 = arith.constant 0 : i32
    %dma_wait3A_172 = tpu.memref_slice %arg7[%dma_wait3A_169, %dma_wait3A_170, %dma_wait3A_171] : memref<2x448x128xf32, #tpu.memory_space<vmem>> -> memref<1x448x128xf32, #tpu.memory_space<vmem>>
    %dma_wait3A_173 = tpu.memref_squeeze %dma_wait3A_172 : memref<1x448x128xf32, #tpu.memory_space<vmem>> -> memref<448x128xf32, #tpu.memory_space<vmem>>
    %dma_wait3A_174 = arith.constant 1344 : i32
    %dma_wait3A_175 = tpu.memref_slice %arg6[%dma_wait3A_174] : memref<3136xi32, #tpu.memory_space<vmem>> -> memref<448xi32, #tpu.memory_space<vmem>>
    %dma_wait3A_176 = arith.constant 0 : i32
    %dma_wait3A_177 = arith.constant 0 : i32
    %dma_wait3A_178 = tpu.memref_slice %arg5[%dma_wait3A_176, %dma_wait3A_177] : memref<20x128xf32, #tpu.memory_space<vmem_shared>> -> memref<20x128xf32, #tpu.memory_space<vmem_shared>>
    tpu.wait_indirect_dma semaphore(%arg10 : memref<!tpu.dma_semaphore, #tpu.memory_space<semaphore_mem>>) src(%dma_wait3A_178 : memref<20x128xf32, #tpu.memory_space<vmem_shared>>) dst(%dma_wait3A_173 : memref<448x128xf32, #tpu.memory_space<vmem>>)
    %dma_start3A_179 = arith.constant 1 : i32
    %dma_start3A_180 = arith.constant 0 : i32
    %dma_start3A_181 = arith.constant 0 : i32
    %dma_start3A_182 = tpu.memref_slice %arg7[%dma_start3A_179, %dma_start3A_180, %dma_start3A_181] : memref<2x448x128xf32, #tpu.memory_space<vmem>> -> memref<1x448x128xf32, #tpu.memory_space<vmem>>
    %dma_start3A_183 = tpu.memref_squeeze %dma_start3A_182 : memref<1x448x128xf32, #tpu.memory_space<vmem>> -> memref<448x128xf32, #tpu.memory_space<vmem>>
    %dma_start3A_184 = arith.constant 0 : i32
    %dma_start3A_185 = tpu.memref_slice %arg4[%add3A_145, %dma_start3A_184] : memref<100000x128xf32, #tpu.memory_space<hbm>> -> memref<448x128xf32, #tpu.memory_space<hbm>>
    %dma_start3A_186 = arith.constant 0 : i32
    %dma_start3A_187 = tpu.memref_slice %arg4[%add3A_145, %dma_start3A_186] : memref<100000x128xf32, #tpu.memory_space<hbm>> -> memref<448x128xf32, #tpu.memory_space<hbm>>
    %dma_start3A_188 = arith.constant 0 : i32
    %dma_start3A_189 = arith.constant 0 : i32
    %dma_start3A_190 = tpu.memref_slice %arg7[%dma_start3A_179, %dma_start3A_188, %dma_start3A_189] : memref<2x448x128xf32, #tpu.memory_space<vmem>> -> memref<1x448x128xf32, #tpu.memory_space<vmem>>
    %dma_start3A_191 = tpu.memref_squeeze %dma_start3A_190 : memref<1x448x128xf32, #tpu.memory_space<vmem>> -> memref<448x128xf32, #tpu.memory_space<vmem>>
    tpu.enqueue_dma source(%dma_start3A_191 : memref<448x128xf32, #tpu.memory_space<vmem>>) target(%dma_start3A_187 : memref<448x128xf32, #tpu.memory_space<hbm>>) target_semaphore(%arg12 : memref<!tpu.dma_semaphore, #tpu.memory_space<semaphore_mem>>)
    %add3A_192 = arith.constant 1792 : i32
    %add3A_193 = arith.addi %min3A_21, %add3A_192 : i32
    %dma_wait3A_194 = arith.constant 0 : i32
    %dma_wait3A_195 = arith.constant 0 : i32
    %dma_wait3A_196 = arith.constant 0 : i32
    %dma_wait3A_197 = tpu.memref_slice %arg7[%dma_wait3A_194, %dma_wait3A_195, %dma_wait3A_196] : memref<2x448x128xf32, #tpu.memory_space<vmem>> -> memref<1x448x128xf32, #tpu.memory_space<vmem>>
    %dma_wait3A_198 = tpu.memref_squeeze %dma_wait3A_197 : memref<1x448x128xf32, #tpu.memory_space<vmem>> -> memref<448x128xf32, #tpu.memory_space<vmem>>
    %dma_wait3A_199 = arith.constant 0 : i32
    %dma_wait3A_200 = tpu.memref_slice %arg4[%add3A_97, %dma_wait3A_199] : memref<100000x128xf32, #tpu.memory_space<hbm>> -> memref<448x128xf32, #tpu.memory_space<hbm>>
    %dma_wait3A_201 = arith.constant 0 : i32
    %dma_wait3A_202 = tpu.memref_slice %arg4[%add3A_97, %dma_wait3A_201] : memref<100000x128xf32, #tpu.memory_space<hbm>> -> memref<448x128xf32, #tpu.memory_space<hbm>>
    %dma_wait3A_203 = arith.constant 0 : i32
    %dma_wait3A_204 = arith.constant 0 : i32
    %dma_wait3A_205 = tpu.memref_slice %arg7[%dma_wait3A_194, %dma_wait3A_203, %dma_wait3A_204] : memref<2x448x128xf32, #tpu.memory_space<vmem>> -> memref<1x448x128xf32, #tpu.memory_space<vmem>>
    %dma_wait3A_206 = tpu.memref_squeeze %dma_wait3A_205 : memref<1x448x128xf32, #tpu.memory_space<vmem>> -> memref<448x128xf32, #tpu.memory_space<vmem>>
    tpu.wait_dma2 semaphore(%arg11 : memref<!tpu.dma_semaphore, #tpu.memory_space<semaphore_mem>>) src(%dma_wait3A_206 : memref<448x128xf32, #tpu.memory_space<vmem>>) dst(%dma_wait3A_202 : memref<448x128xf32, #tpu.memory_space<hbm>>)
    %dma_start3A_207 = arith.constant 0 : i32
    %dma_start3A_208 = arith.constant 0 : i32
    %dma_start3A_209 = arith.constant 0 : i32
    %dma_start3A_210 = tpu.memref_slice %arg7[%dma_start3A_207, %dma_start3A_208, %dma_start3A_209] : memref<2x448x128xf32, #tpu.memory_space<vmem>> -> memref<1x448x128xf32, #tpu.memory_space<vmem>>
    %dma_start3A_211 = tpu.memref_squeeze %dma_start3A_210 : memref<1x448x128xf32, #tpu.memory_space<vmem>> -> memref<448x128xf32, #tpu.memory_space<vmem>>
    %dma_start3A_212 = arith.constant 1792 : i32
    %dma_start3A_213 = tpu.memref_slice %arg6[%dma_start3A_212] : memref<3136xi32, #tpu.memory_space<vmem>> -> memref<448xi32, #tpu.memory_space<vmem>>
    %dma_start3A_214 = arith.constant 0 : i32
    %dma_start3A_215 = arith.constant 0 : i32
    %dma_start3A_216 = tpu.memref_slice %arg5[%dma_start3A_214, %dma_start3A_215] : memref<20x128xf32, #tpu.memory_space<vmem_shared>> -> memref<20x128xf32, #tpu.memory_space<vmem_shared>>
    tpu.enqueue_indirect_dma source(%dma_start3A_216 : memref<20x128xf32, #tpu.memory_space<vmem_shared>>) target(%dma_start3A_211 : memref<448x128xf32, #tpu.memory_space<vmem>>) offsets(%dma_start3A_213 : memref<448xi32, #tpu.memory_space<vmem>>) semaphore(%arg9 : memref<!tpu.dma_semaphore, #tpu.memory_space<semaphore_mem>>)
    %dma_wait3A_217 = arith.constant 0 : i32
    %dma_wait3A_218 = arith.constant 0 : i32
    %dma_wait3A_219 = arith.constant 0 : i32
    %dma_wait3A_220 = tpu.memref_slice %arg7[%dma_wait3A_217, %dma_wait3A_218, %dma_wait3A_219] : memref<2x448x128xf32, #tpu.memory_space<vmem>> -> memref<1x448x128xf32, #tpu.memory_space<vmem>>
    %dma_wait3A_221 = tpu.memref_squeeze %dma_wait3A_220 : memref<1x448x128xf32, #tpu.memory_space<vmem>> -> memref<448x128xf32, #tpu.memory_space<vmem>>
    %dma_wait3A_222 = arith.constant 1792 : i32
    %dma_wait3A_223 = tpu.memref_slice %arg6[%dma_wait3A_222] : memref<3136xi32, #tpu.memory_space<vmem>> -> memref<448xi32, #tpu.memory_space<vmem>>
    %dma_wait3A_224 = arith.constant 0 : i32
    %dma_wait3A_225 = arith.constant 0 : i32
    %dma_wait3A_226 = tpu.memref_slice %arg5[%dma_wait3A_224, %dma_wait3A_225] : memref<20x128xf32, #tpu.memory_space<vmem_shared>> -> memref<20x128xf32, #tpu.memory_space<vmem_shared>>
    tpu.wait_indirect_dma semaphore(%arg9 : memref<!tpu.dma_semaphore, #tpu.memory_space<semaphore_mem>>) src(%dma_wait3A_226 : memref<20x128xf32, #tpu.memory_space<vmem_shared>>) dst(%dma_wait3A_221 : memref<448x128xf32, #tpu.memory_space<vmem>>)
    %dma_start3A_227 = arith.constant 0 : i32
    %dma_start3A_228 = arith.constant 0 : i32
    %dma_start3A_229 = arith.constant 0 : i32
    %dma_start3A_230 = tpu.memref_slice %arg7[%dma_start3A_227, %dma_start3A_228, %dma_start3A_229] : memref<2x448x128xf32, #tpu.memory_space<vmem>> -> memref<1x448x128xf32, #tpu.memory_space<vmem>>
    %dma_start3A_231 = tpu.memref_squeeze %dma_start3A_230 : memref<1x448x128xf32, #tpu.memory_space<vmem>> -> memref<448x128xf32, #tpu.memory_space<vmem>>
    %dma_start3A_232 = arith.constant 0 : i32
    %dma_start3A_233 = tpu.memref_slice %arg4[%add3A_193, %dma_start3A_232] : memref<100000x128xf32, #tpu.memory_space<hbm>> -> memref<448x128xf32, #tpu.memory_space<hbm>>
    %dma_start3A_234 = arith.constant 0 : i32
    %dma_start3A_235 = tpu.memref_slice %arg4[%add3A_193, %dma_start3A_234] : memref<100000x128xf32, #tpu.memory_space<hbm>> -> memref<448x128xf32, #tpu.memory_space<hbm>>
    %dma_start3A_236 = arith.constant 0 : i32
    %dma_start3A_237 = arith.constant 0 : i32
    %dma_start3A_238 = tpu.memref_slice %arg7[%dma_start3A_227, %dma_start3A_236, %dma_start3A_237] : memref<2x448x128xf32, #tpu.memory_space<vmem>> -> memref<1x448x128xf32, #tpu.memory_space<vmem>>
    %dma_start3A_239 = tpu.memref_squeeze %dma_start3A_238 : memref<1x448x128xf32, #tpu.memory_space<vmem>> -> memref<448x128xf32, #tpu.memory_space<vmem>>
    tpu.enqueue_dma source(%dma_start3A_239 : memref<448x128xf32, #tpu.memory_space<vmem>>) target(%dma_start3A_235 : memref<448x128xf32, #tpu.memory_space<hbm>>) target_semaphore(%arg11 : memref<!tpu.dma_semaphore, #tpu.memory_space<semaphore_mem>>)
    %add3A_240 = arith.constant 2240 : i32
    %add3A_241 = arith.addi %min3A_21, %add3A_240 : i32
    %dma_wait3A_242 = arith.constant 1 : i32
    %dma_wait3A_243 = arith.constant 0 : i32
    %dma_wait3A_244 = arith.constant 0 : i32
    %dma_wait3A_245 = tpu.memref_slice %arg7[%dma_wait3A_242, %dma_wait3A_243, %dma_wait3A_244] : memref<2x448x128xf32, #tpu.memory_space<vmem>> -> memref<1x448x128xf32, #tpu.memory_space<vmem>>
    %dma_wait3A_246 = tpu.memref_squeeze %dma_wait3A_245 : memref<1x448x128xf32, #tpu.memory_space<vmem>> -> memref<448x128xf32, #tpu.memory_space<vmem>>
    %dma_wait3A_247 = arith.constant 0 : i32
    %dma_wait3A_248 = tpu.memref_slice %arg4[%add3A_145, %dma_wait3A_247] : memref<100000x128xf32, #tpu.memory_space<hbm>> -> memref<448x128xf32, #tpu.memory_space<hbm>>
    %dma_wait3A_249 = arith.constant 0 : i32
    %dma_wait3A_250 = tpu.memref_slice %arg4[%add3A_145, %dma_wait3A_249] : memref<100000x128xf32, #tpu.memory_space<hbm>> -> memref<448x128xf32, #tpu.memory_space<hbm>>
    %dma_wait3A_251 = arith.constant 0 : i32
    %dma_wait3A_252 = arith.constant 0 : i32
    %dma_wait3A_253 = tpu.memref_slice %arg7[%dma_wait3A_242, %dma_wait3A_251, %dma_wait3A_252] : memref<2x448x128xf32, #tpu.memory_space<vmem>> -> memref<1x448x128xf32, #tpu.memory_space<vmem>>
    %dma_wait3A_254 = tpu.memref_squeeze %dma_wait3A_253 : memref<1x448x128xf32, #tpu.memory_space<vmem>> -> memref<448x128xf32, #tpu.memory_space<vmem>>
    tpu.wait_dma2 semaphore(%arg12 : memref<!tpu.dma_semaphore, #tpu.memory_space<semaphore_mem>>) src(%dma_wait3A_254 : memref<448x128xf32, #tpu.memory_space<vmem>>) dst(%dma_wait3A_250 : memref<448x128xf32, #tpu.memory_space<hbm>>)
    %dma_start3A_255 = arith.constant 1 : i32
    %dma_start3A_256 = arith.constant 0 : i32
    %dma_start3A_257 = arith.constant 0 : i32
    %dma_start3A_258 = tpu.memref_slice %arg7[%dma_start3A_255, %dma_start3A_256, %dma_start3A_257] : memref<2x448x128xf32, #tpu.memory_space<vmem>> -> memref<1x448x128xf32, #tpu.memory_space<vmem>>
    %dma_start3A_259 = tpu.memref_squeeze %dma_start3A_258 : memref<1x448x128xf32, #tpu.memory_space<vmem>> -> memref<448x128xf32, #tpu.memory_space<vmem>>
    %dma_start3A_260 = arith.constant 2240 : i32
    %dma_start3A_261 = tpu.memref_slice %arg6[%dma_start3A_260] : memref<3136xi32, #tpu.memory_space<vmem>> -> memref<448xi32, #tpu.memory_space<vmem>>
    %dma_start3A_262 = arith.constant 0 : i32
    %dma_start3A_263 = arith.constant 0 : i32
    %dma_start3A_264 = tpu.memref_slice %arg5[%dma_start3A_262, %dma_start3A_263] : memref<20x128xf32, #tpu.memory_space<vmem_shared>> -> memref<20x128xf32, #tpu.memory_space<vmem_shared>>
    tpu.enqueue_indirect_dma source(%dma_start3A_264 : memref<20x128xf32, #tpu.memory_space<vmem_shared>>) target(%dma_start3A_259 : memref<448x128xf32, #tpu.memory_space<vmem>>) offsets(%dma_start3A_261 : memref<448xi32, #tpu.memory_space<vmem>>) semaphore(%arg10 : memref<!tpu.dma_semaphore, #tpu.memory_space<semaphore_mem>>)
    %dma_wait3A_265 = arith.constant 1 : i32
    %dma_wait3A_266 = arith.constant 0 : i32
    %dma_wait3A_267 = arith.constant 0 : i32
    %dma_wait3A_268 = tpu.memref_slice %arg7[%dma_wait3A_265, %dma_wait3A_266, %dma_wait3A_267] : memref<2x448x128xf32, #tpu.memory_space<vmem>> -> memref<1x448x128xf32, #tpu.memory_space<vmem>>
    %dma_wait3A_269 = tpu.memref_squeeze %dma_wait3A_268 : memref<1x448x128xf32, #tpu.memory_space<vmem>> -> memref<448x128xf32, #tpu.memory_space<vmem>>
    %dma_wait3A_270 = arith.constant 2240 : i32
    %dma_wait3A_271 = tpu.memref_slice %arg6[%dma_wait3A_270] : memref<3136xi32, #tpu.memory_space<vmem>> -> memref<448xi32, #tpu.memory_space<vmem>>
    %dma_wait3A_272 = arith.constant 0 : i32
    %dma_wait3A_273 = arith.constant 0 : i32
    %dma_wait3A_274 = tpu.memref_slice %arg5[%dma_wait3A_272, %dma_wait3A_273] : memref<20x128xf32, #tpu.memory_space<vmem_shared>> -> memref<20x128xf32, #tpu.memory_space<vmem_shared>>
    tpu.wait_indirect_dma semaphore(%arg10 : memref<!tpu.dma_semaphore, #tpu.memory_space<semaphore_mem>>) src(%dma_wait3A_274 : memref<20x128xf32, #tpu.memory_space<vmem_shared>>) dst(%dma_wait3A_269 : memref<448x128xf32, #tpu.memory_space<vmem>>)
    %dma_start3A_275 = arith.constant 1 : i32
    %dma_start3A_276 = arith.constant 0 : i32
    %dma_start3A_277 = arith.constant 0 : i32
    %dma_start3A_278 = tpu.memref_slice %arg7[%dma_start3A_275, %dma_start3A_276, %dma_start3A_277] : memref<2x448x128xf32, #tpu.memory_space<vmem>> -> memref<1x448x128xf32, #tpu.memory_space<vmem>>
    %dma_start3A_279 = tpu.memref_squeeze %dma_start3A_278 : memref<1x448x128xf32, #tpu.memory_space<vmem>> -> memref<448x128xf32, #tpu.memory_space<vmem>>
    %dma_start3A_280 = arith.constant 0 : i32
    %dma_start3A_281 = tpu.memref_slice %arg4[%add3A_241, %dma_start3A_280] : memref<100000x128xf32, #tpu.memory_space<hbm>> -> memref<448x128xf32, #tpu.memory_space<hbm>>
    %dma_start3A_282 = arith.constant 0 : i32
    %dma_start3A_283 = tpu.memref_slice %arg4[%add3A_241, %dma_start3A_282] : memref<100000x128xf32, #tpu.memory_space<hbm>> -> memref<448x128xf32, #tpu.memory_space<hbm>>
    %dma_start3A_284 = arith.constant 0 : i32
    %dma_start3A_285 = arith.constant 0 : i32
    %dma_start3A_286 = tpu.memref_slice %arg7[%dma_start3A_275, %dma_start3A_284, %dma_start3A_285] : memref<2x448x128xf32, #tpu.memory_space<vmem>> -> memref<1x448x128xf32, #tpu.memory_space<vmem>>
    %dma_start3A_287 = tpu.memref_squeeze %dma_start3A_286 : memref<1x448x128xf32, #tpu.memory_space<vmem>> -> memref<448x128xf32, #tpu.memory_space<vmem>>
    tpu.enqueue_dma source(%dma_start3A_287 : memref<448x128xf32, #tpu.memory_space<vmem>>) target(%dma_start3A_283 : memref<448x128xf32, #tpu.memory_space<hbm>>) target_semaphore(%arg12 : memref<!tpu.dma_semaphore, #tpu.memory_space<semaphore_mem>>)
    %add3A_288 = arith.constant 2688 : i32
    %add3A_289 = arith.addi %min3A_21, %add3A_288 : i32
    %dma_wait3A_290 = arith.constant 0 : i32
    %dma_wait3A_291 = arith.constant 0 : i32
    %dma_wait3A_292 = arith.constant 0 : i32
    %dma_wait3A_293 = tpu.memref_slice %arg7[%dma_wait3A_290, %dma_wait3A_291, %dma_wait3A_292] : memref<2x448x128xf32, #tpu.memory_space<vmem>> -> memref<1x448x128xf32, #tpu.memory_space<vmem>>
    %dma_wait3A_294 = tpu.memref_squeeze %dma_wait3A_293 : memref<1x448x128xf32, #tpu.memory_space<vmem>> -> memref<448x128xf32, #tpu.memory_space<vmem>>
    %dma_wait3A_295 = arith.constant 0 : i32
    %dma_wait3A_296 = tpu.memref_slice %arg4[%add3A_193, %dma_wait3A_295] : memref<100000x128xf32, #tpu.memory_space<hbm>> -> memref<448x128xf32, #tpu.memory_space<hbm>>
    %dma_wait3A_297 = arith.constant 0 : i32
    %dma_wait3A_298 = tpu.memref_slice %arg4[%add3A_193, %dma_wait3A_297] : memref<100000x128xf32, #tpu.memory_space<hbm>> -> memref<448x128xf32, #tpu.memory_space<hbm>>
    %dma_wait3A_299 = arith.constant 0 : i32
    %dma_wait3A_300 = arith.constant 0 : i32
    %dma_wait3A_301 = tpu.memref_slice %arg7[%dma_wait3A_290, %dma_wait3A_299, %dma_wait3A_300] : memref<2x448x128xf32, #tpu.memory_space<vmem>> -> memref<1x448x128xf32, #tpu.memory_space<vmem>>
    %dma_wait3A_302 = tpu.memref_squeeze %dma_wait3A_301 : memref<1x448x128xf32, #tpu.memory_space<vmem>> -> memref<448x128xf32, #tpu.memory_space<vmem>>
    tpu.wait_dma2 semaphore(%arg11 : memref<!tpu.dma_semaphore, #tpu.memory_space<semaphore_mem>>) src(%dma_wait3A_302 : memref<448x128xf32, #tpu.memory_space<vmem>>) dst(%dma_wait3A_298 : memref<448x128xf32, #tpu.memory_space<hbm>>)
    %dma_start3A_303 = arith.constant 0 : i32
    %dma_start3A_304 = arith.constant 0 : i32
    %dma_start3A_305 = arith.constant 0 : i32
    %dma_start3A_306 = tpu.memref_slice %arg7[%dma_start3A_303, %dma_start3A_304, %dma_start3A_305] : memref<2x448x128xf32, #tpu.memory_space<vmem>> -> memref<1x448x128xf32, #tpu.memory_space<vmem>>
    %dma_start3A_307 = tpu.memref_squeeze %dma_start3A_306 : memref<1x448x128xf32, #tpu.memory_space<vmem>> -> memref<448x128xf32, #tpu.memory_space<vmem>>
    %dma_start3A_308 = arith.constant 2688 : i32
    %dma_start3A_309 = tpu.memref_slice %arg6[%dma_start3A_308] : memref<3136xi32, #tpu.memory_space<vmem>> -> memref<448xi32, #tpu.memory_space<vmem>>
    %dma_start3A_310 = arith.constant 0 : i32
    %dma_start3A_311 = arith.constant 0 : i32
    %dma_start3A_312 = tpu.memref_slice %arg5[%dma_start3A_310, %dma_start3A_311] : memref<20x128xf32, #tpu.memory_space<vmem_shared>> -> memref<20x128xf32, #tpu.memory_space<vmem_shared>>
    tpu.enqueue_indirect_dma source(%dma_start3A_312 : memref<20x128xf32, #tpu.memory_space<vmem_shared>>) target(%dma_start3A_307 : memref<448x128xf32, #tpu.memory_space<vmem>>) offsets(%dma_start3A_309 : memref<448xi32, #tpu.memory_space<vmem>>) semaphore(%arg9 : memref<!tpu.dma_semaphore, #tpu.memory_space<semaphore_mem>>)
    %dma_wait3A_313 = arith.constant 0 : i32
    %dma_wait3A_314 = arith.constant 0 : i32
    %dma_wait3A_315 = arith.constant 0 : i32
    %dma_wait3A_316 = tpu.memref_slice %arg7[%dma_wait3A_313, %dma_wait3A_314, %dma_wait3A_315] : memref<2x448x128xf32, #tpu.memory_space<vmem>> -> memref<1x448x128xf32, #tpu.memory_space<vmem>>
    %dma_wait3A_317 = tpu.memref_squeeze %dma_wait3A_316 : memref<1x448x128xf32, #tpu.memory_space<vmem>> -> memref<448x128xf32, #tpu.memory_space<vmem>>
    %dma_wait3A_318 = arith.constant 2688 : i32
    %dma_wait3A_319 = tpu.memref_slice %arg6[%dma_wait3A_318] : memref<3136xi32, #tpu.memory_space<vmem>> -> memref<448xi32, #tpu.memory_space<vmem>>
    %dma_wait3A_320 = arith.constant 0 : i32
    %dma_wait3A_321 = arith.constant 0 : i32
    %dma_wait3A_322 = tpu.memref_slice %arg5[%dma_wait3A_320, %dma_wait3A_321] : memref<20x128xf32, #tpu.memory_space<vmem_shared>> -> memref<20x128xf32, #tpu.memory_space<vmem_shared>>
    tpu.wait_indirect_dma semaphore(%arg9 : memref<!tpu.dma_semaphore, #tpu.memory_space<semaphore_mem>>) src(%dma_wait3A_322 : memref<20x128xf32, #tpu.memory_space<vmem_shared>>) dst(%dma_wait3A_317 : memref<448x128xf32, #tpu.memory_space<vmem>>)
    %dma_start3A_323 = arith.constant 0 : i32
    %dma_start3A_324 = arith.constant 0 : i32
    %dma_start3A_325 = arith.constant 0 : i32
    %dma_start3A_326 = tpu.memref_slice %arg7[%dma_start3A_323, %dma_start3A_324, %dma_start3A_325] : memref<2x448x128xf32, #tpu.memory_space<vmem>> -> memref<1x448x128xf32, #tpu.memory_space<vmem>>
    %dma_start3A_327 = tpu.memref_squeeze %dma_start3A_326 : memref<1x448x128xf32, #tpu.memory_space<vmem>> -> memref<448x128xf32, #tpu.memory_space<vmem>>
    %dma_start3A_328 = arith.constant 0 : i32
    %dma_start3A_329 = tpu.memref_slice %arg4[%add3A_289, %dma_start3A_328] : memref<100000x128xf32, #tpu.memory_space<hbm>> -> memref<448x128xf32, #tpu.memory_space<hbm>>
    %dma_start3A_330 = arith.constant 0 : i32
    %dma_start3A_331 = tpu.memref_slice %arg4[%add3A_289, %dma_start3A_330] : memref<100000x128xf32, #tpu.memory_space<hbm>> -> memref<448x128xf32, #tpu.memory_space<hbm>>
    %dma_start3A_332 = arith.constant 0 : i32
    %dma_start3A_333 = arith.constant 0 : i32
    %dma_start3A_334 = tpu.memref_slice %arg7[%dma_start3A_323, %dma_start3A_332, %dma_start3A_333] : memref<2x448x128xf32, #tpu.memory_space<vmem>> -> memref<1x448x128xf32, #tpu.memory_space<vmem>>
    %dma_start3A_335 = tpu.memref_squeeze %dma_start3A_334 : memref<1x448x128xf32, #tpu.memory_space<vmem>> -> memref<448x128xf32, #tpu.memory_space<vmem>>
    tpu.enqueue_dma source(%dma_start3A_335 : memref<448x128xf32, #tpu.memory_space<vmem>>) target(%dma_start3A_331 : memref<448x128xf32, #tpu.memory_space<hbm>>) target_semaphore(%arg11 : memref<!tpu.dma_semaphore, #tpu.memory_space<semaphore_mem>>)
    %dma_wait3A_336 = arith.constant 0 : i32
    %dma_wait3A_337 = arith.constant 0 : i32
    %dma_wait3A_338 = arith.constant 0 : i32
    %dma_wait3A_339 = tpu.memref_slice %arg7[%dma_wait3A_336, %dma_wait3A_337, %dma_wait3A_338] : memref<2x448x128xf32, #tpu.memory_space<vmem>> -> memref<1x448x128xf32, #tpu.memory_space<vmem>>
    %dma_wait3A_340 = tpu.memref_squeeze %dma_wait3A_339 : memref<1x448x128xf32, #tpu.memory_space<vmem>> -> memref<448x128xf32, #tpu.memory_space<vmem>>
    %dma_wait3A_341 = arith.constant 0 : i32
    %dma_wait3A_342 = tpu.memref_slice %arg4[%add3A_289, %dma_wait3A_341] : memref<100000x128xf32, #tpu.memory_space<hbm>> -> memref<448x128xf32, #tpu.memory_space<hbm>>
    %dma_wait3A_343 = arith.constant 0 : i32
    %dma_wait3A_344 = tpu.memref_slice %arg4[%add3A_289, %dma_wait3A_343] : memref<100000x128xf32, #tpu.memory_space<hbm>> -> memref<448x128xf32, #tpu.memory_space<hbm>>
    %dma_wait3A_345 = arith.constant 0 : i32
    %dma_wait3A_346 = arith.constant 0 : i32
    %dma_wait3A_347 = tpu.memref_slice %arg7[%dma_wait3A_336, %dma_wait3A_345, %dma_wait3A_346] : memref<2x448x128xf32, #tpu.memory_space<vmem>> -> memref<1x448x128xf32, #tpu.memory_space<vmem>>
    %dma_wait3A_348 = tpu.memref_squeeze %dma_wait3A_347 : memref<1x448x128xf32, #tpu.memory_space<vmem>> -> memref<448x128xf32, #tpu.memory_space<vmem>>
    tpu.wait_dma2 semaphore(%arg11 : memref<!tpu.dma_semaphore, #tpu.memory_space<semaphore_mem>>) src(%dma_wait3A_348 : memref<448x128xf32, #tpu.memory_space<vmem>>) dst(%dma_wait3A_344 : memref<448x128xf32, #tpu.memory_space<hbm>>)
    %dma_wait3A_349 = arith.constant 1 : i32
    %dma_wait3A_350 = arith.constant 0 : i32
    %dma_wait3A_351 = arith.constant 0 : i32
    %dma_wait3A_352 = tpu.memref_slice %arg7[%dma_wait3A_349, %dma_wait3A_350, %dma_wait3A_351] : memref<2x448x128xf32, #tpu.memory_space<vmem>> -> memref<1x448x128xf32, #tpu.memory_space<vmem>>
    %dma_wait3A_353 = tpu.memref_squeeze %dma_wait3A_352 : memref<1x448x128xf32, #tpu.memory_space<vmem>> -> memref<448x128xf32, #tpu.memory_space<vmem>>
    %dma_wait3A_354 = arith.constant 0 : i32
    %dma_wait3A_355 = tpu.memref_slice %arg4[%add3A_241, %dma_wait3A_354] : memref<100000x128xf32, #tpu.memory_space<hbm>> -> memref<448x128xf32, #tpu.memory_space<hbm>>
    %dma_wait3A_356 = arith.constant 0 : i32
    %dma_wait3A_357 = tpu.memref_slice %arg4[%add3A_241, %dma_wait3A_356] : memref<100000x128xf32, #tpu.memory_space<hbm>> -> memref<448x128xf32, #tpu.memory_space<hbm>>
    %dma_wait3A_358 = arith.constant 0 : i32
    %dma_wait3A_359 = arith.constant 0 : i32
    %dma_wait3A_360 = tpu.memref_slice %arg7[%dma_wait3A_349, %dma_wait3A_358, %dma_wait3A_359] : memref<2x448x128xf32, #tpu.memory_space<vmem>> -> memref<1x448x128xf32, #tpu.memory_space<vmem>>
    %dma_wait3A_361 = tpu.memref_squeeze %dma_wait3A_360 : memref<1x448x128xf32, #tpu.memory_space<vmem>> -> memref<448x128xf32, #tpu.memory_space<vmem>>
    tpu.wait_dma2 semaphore(%arg12 : memref<!tpu.dma_semaphore, #tpu.memory_space<semaphore_mem>>) src(%dma_wait3A_361 : memref<448x128xf32, #tpu.memory_space<vmem>>) dst(%dma_wait3A_357 : memref<448x128xf32, #tpu.memory_space<hbm>>)
    return
  }
}

</mosaic_0001>

<sc_bundles>
// kernel: kernel.3.cloned.1.call-start
scs
__scs_entry_jumppad:
0x0: {  	(pc) =	sbr.rel $0x88, $3  }
0x1: {  	(tag) =	ssettag $0x0;
	lr =	simm.s32 $0x1  }
0x2: {  	[smem:$0x3F9F] =	sst lr;
	_ =	strace $0xD0000000  }
0x3: {  	_ = 	snop  }
0x4: {  	_ = 	snop  }
0x5: {  	_ = 	snop  }
0x6: {  	_ = 	snop  }
0x7: {  	_ = 	snop  }
__scs_overlays_trampoline_lowered:
0x8: {  	[smem:$0x3FAE] =	sst s0  }
0x9: {  	[smem:$0x3FAF] =	sst s1  }
0xa: {  	[smem:$0x3FB0] =	sst s2  }
0xb: {  	[smem:$0x3FB1] =	sst s3  }
0xc: {  	[smem:$0x3FB2] =	sst s4  }
0xd: {  	[smem:$0x3FB3] =	sst s5  }
0xe: {  	[smem:$0x3FB4] =	sst s6  }
0xf: {  	[smem:$0x3FB5] =	sst s7  }
0x10: {  	[smem:$0x3FB6] =	sst s8  }
0x11: {  	[smem:$0x3FB7] =	sst s9;
	s0 =	simm.s32 @!p0 $0x0  }
0x12: {  	s1 =	sld [smem:$0x3F9D];
	s0 =	simm.s32 @p0 $0x1  }
0x13: {  	[smem:$0x3FB8] =	sst s0;
	s0 =	simm.s32 @!p1 $0x0  }
0x14: {  	s2 =	sld [smem:$0x3F9C];
	s0 =	simm.s32 @p1 $0x1  }
0x15: {  	[smem:$0x3FB9] =	sst s0;
	s0 =	simm.s32 @!p2 $0x0  }
0x16: {  	s3 =	sld [smem:$0x3FDB];
	s0 =	simm.s32 @p2 $0x1  }
0x17: {  	s4 =	simm.s32 $0x1BF5;
	[smem:$0x3FBB] =	sst s0  }
0x18: {  	s0 =	sld [smem:$0x3F9E];
	_ =	swait.ge [sflag:s4], $0x0  }
0x19: {  	s7 =	sld [smem:$0x3F9F]  }
0x1a: {  	s8 =	sadd.s32 $0xFFFFE003, lr  }
0x1b: {  	s9 =	sadd.s32 $0xFFFFFEF7, lr;
	s5 =	simm.s32 $0xFFFFFFFF;
	p2 =	slt.u32 s8, $0xFFFFF086  }
0x1c: {  	p1 =	slt.u32 s9, $0xF7A;
	s5 =	simm.s32 @!p2 $0x0  }
0x1d: {  	s5 =	simm.s32 @p1 $0x1;
	p0 =	seq.s32 s7, s2  }
0x1e: {  	s7 =	smul.u32 @!p0 $0xF7A, s2;
	p2 =	seq.s32 @!p0 s5, $0x0  }
0x1f: {  	s9 =	smul.u32 $0xF7A, s1;
	s8 =	simm.s32 @!p0 $0x1BF5;
	p2 =	por !p2, p0  }
0x20: {  	[sflag:s8] =	ssyncset.s32 @!p0 $0xFFFFF086;
	s6 =	sadd.s32 @!p0 s3, s7;
	s7 =	simm.s32 @!p0 $0x108  }
0x21: {  	s3 =	sadd.s32 s3, s9;
	s6 =	sadd.s32 @!p0 $0x88, s6;
	s7 =	simm.s32 @p2 $0x1082  }
0x22: {  	[simem:s7], [sflag:s8] =	dma.local @!p0 [hbm:s6], $0xF7A  }
0x23: {  	s9 =	sor.u32 $0xD0000000, s2;
	s6 =	simm.s32 $0x108;
	_ =	swait.ge @!p0 [sflag:s8], $0x0  }
0x24: {  	s3 =	sadd.s32 $0x88, s3;
	s6 =	simm.s32 @!p1 $0x1082;
	[sflag:s4] =	ssyncset.s32 $0xFFFFF086  }
0x25: {  	[simem:s6], [sflag:s4] =	dma.local [hbm:s3], $0xF7A  }
0x26: {  	[smem:$0x3F9F] =	sst s1;
	(tag) =	ssettag s2;
	_ =	strace s9  }
0x27: {  	s1 =	sld [smem:$0x3FAF]  }
0x28: {  	s2 =	sld [smem:$0x3FB0]  }
0x29: {  	s4 =	sld [smem:$0x3FB2]  }
0x2a: {  	p0 =	seq.s32 s5, $0x0;
	s5 =	sld [smem:$0x3FB3]  }
0x2b: {  	s6 =	sld [smem:$0x3FB4]  }
0x2c: {  	s7 =	sld [smem:$0x3FB5]  }
0x2d: {  	s3 =	simm.s32 $0x108;
	s8 =	sld [smem:$0x3FB6]  }
0x2e: {  	s3 =	simm.s32 @!p0 $0x1082;
	s9 =	sld [smem:$0x3FB7]  }
0x2f: {  	lr =	sadd.s32 s0, s3;
	s0 =	sld [smem:$0x3FAE]  }
0x30: {  	s3 =	sld [smem:$0x3FB1]  }
0x31: {  	[smem:$0x3FBA] =	sst s10  }
0x32: {  	s10 =	sld [smem:$0x3FB8];
	_ =	sdelay $0x3  }
0x33: {  	p0 =	seq.s32 s10, $0x1;
	s10 =	sld [smem:$0x3FBA];
	_ =	sdelay $0x3  }
0x34: {  	[smem:$0x3FBA] =	sst s10  }
0x35: {  	s10 =	sld [smem:$0x3FB9];
	_ =	sdelay $0x3  }
0x36: {  	p1 =	seq.s32 s10, $0x1;
	s10 =	sld [smem:$0x3FBA];
	_ =	sdelay $0x3  }
0x37: {  	[smem:$0x3FBA] =	sst s10  }
0x38: {  	s10 =	sld [smem:$0x3FBB]  }
0x39: {  	_ = 	snop;
	(pc) =	sbr.ind lr, $3  }
0x3a: {  	_ = 	snop  }
0x3b: {  	_ = 	snop  }
0x3c: {  	p2 =	seq.s32 s10, $0x1;
	s10 =	sld [smem:$0x3FBA]  }
0x3d: {  	_ =	shalt  }
0x3e: {  	_ =	shalt  }
0x3f: {  	_ =	shalt  }
0x40: {  	_ =	shalt  }
0x41: {  	_ =	shalt  }
0x42: {  	_ =	shalt  }
0x43: {  	_ =	shalt  }
0x44: {  	_ =	shalt  }
0x45: {  	_ =	shalt  }
0x46: {  	_ =	shalt  }
0x47: {  	_ =	shalt  }
0x48: {  	_ =	shalt  }
0x49: {  	_ =	shalt  }
0x4a: {  	_ =	shalt  }
0x4b: {  	_ =	shalt  }
0x4c: {  	_ =	shalt  }
0x4d: {  	_ =	shalt  }
0x4e: {  	_ =	shalt  }
0x4f: {  	_ =	shalt  }
0x50: {  	_ =	shalt  }
0x51: {  	_ =	shalt  }
0x52: {  	_ =	shalt  }
0x53: {  	_ =	shalt  }
0x54: {  	_ =	shalt  }
0x55: {  	_ =	shalt  }
0x56: {  	_ =	shalt  }
0x57: {  	_ =	shalt  }
0x58: {  	_ =	shalt  }
0x59: {  	_ =	shalt  }
0x5a: {  	_ =	shalt  }
0x5b: {  	_ =	shalt  }
0x5c: {  	_ =	shalt  }
0x5d: {  	_ =	shalt  }
0x5e: {  	_ =	shalt  }
0x5f: {  	_ =	shalt  }
0x60: {  	_ =	shalt  }
0x61: {  	_ =	shalt  }
0x62: {  	_ =	shalt  }
0x63: {  	_ =	shalt  }
0x64: {  	_ =	shalt  }
0x65: {  	_ =	shalt  }
0x66: {  	_ =	shalt  }
0x67: {  	_ =	shalt  }
0x68: {  	_ =	shalt  }
0x69: {  	_ =	shalt  }
0x6a: {  	_ =	shalt  }
0x6b: {  	_ =	shalt  }
0x6c: {  	_ =	shalt  }
0x6d: {  	_ =	shalt  }
0x6e: {  	_ =	shalt  }
0x6f: {  	_ =	shalt  }
0x70: {  	_ =	shalt  }
0x71: {  	_ =	shalt  }
0x72: {  	_ =	shalt  }
0x73: {  	_ =	shalt  }
0x74: {  	_ =	shalt  }
0x75: {  	_ =	shalt  }
0x76: {  	_ =	shalt  }
0x77: {  	_ =	shalt  }
0x78: {  	_ =	shalt  }
0x79: {  	_ =	shalt  }
0x7a: {  	_ =	shalt  }
0x7b: {  	_ =	shalt  }
0x7c: {  	_ =	shalt  }
0x7d: {  	_ =	shalt  }
0x7e: {  	_ =	shalt  }
0x7f: {  	_ =	shalt  }
0x80: {  	_ =	shalt  }
0x81: {  	_ =	shalt  }
0x82: {  	_ =	shalt  }
0x83: {  	_ =	shalt  }
0x84: {  	_ =	shalt  }
0x85: {  	_ =	shalt  }
0x86: {  	_ =	shalt  }
0x87: {  	_ =	shalt  }
.Lfunc_end0:
.L_simem_size_0:
called_computation_lowered:
.L_overlay_start_0:
0x88: {  	s2 =	sld [smem:$0x3FD9]  }
0x89: {  	s3 =	sld [smem:$0x3FFE];
	_ =	sdelay $0x1  }
0x8a: {  	s1 =	srdreg.scid  }
0x8b: {  	s0 =	sand.u32 $0x1, s1  }
0x8c: {  	s18 =	sshll.u32 s0, $0xA;
	s2 =	sadd.s32 s3, s2  }
0x8d: {  	s2 =	sadd.s32 s2, s18  }
0x8e: {  	[smem:$0x3FC6] =	sst s2  }
0x8f: {  	_ = 	snop  }
0x90: {  	s2 =	sld [smem:$0x3FC9]  }
0x91: {  	s19 =	sld [smem:$0x3FC8]  }
0x92: {  	s4 =	sld [smem:$0x3FD0];
	(tm) =	ssettm $0x1  }
0x93: {  	s5 =	sld [smem:$0x3FFB];
	_ =	sdelay $0x3  }
0x94: {  	_ =	strace s5  }
0x95: {  	s5 =	sld [smem:$0x3FFC];
	_ =	sdelay $0x3  }
0x96: {  	_ =	strace s5  }
0x97: {  	s5 =	sld [smem:$0x3FFD];
	_ =	sdelay $0x3  }
0x98: {  	_ =	strace s5  }
0x99: {  	_ =	strace $0x8FFFFFFF  }
0x9a: {  	s20 =	sld [smem:$0x3FDB];
	_ =	sdelay $0x1  }
0x9b: {  	s6 =	simm.s32 $_scs_section_size  }
0x9c: {  	s7 =	simm.s32 $_size__tile_overlayer_lowered;
	s8 =	simm.s32 $_tile_overlayer_lowered  }
0x9d: {  	s23 =	simm.s32 $0x1BFF;
	s22 =	sshll.u32 s8, $0x1;
	s5 =	sadd.s32 s6, s20  }
0x9e: {  	s9 =	simm.s32 $0x0;
	s21 =	sshll.u32 s7, $0x1;
	s7 =	sadd.s32 s22, s5  }
0x9f: {  	[timem:s9], [sflag:s23] =	dma.local [hbm:s7], s21  }
0xa0: {  	_ =	swait.ge [sflag:s23], s21  }
0xa1: {  	s6 =	ssub.s32 $0x0, s21;
	[sflag:s23] =	ssyncset.done $0x0  }
0xa2: {  	[sflag:s23] =	ssyncadd.s32 s6;
	_ =	sdelay $0x1  }
0xa3: {  	s24 =	simm.s32 $0x1B8B  }
0xa4: {  	_ =	swait.ge [sflag:s24], $0x1  }
0xa5: {  	[sflag:s24] =	ssyncset.done $0x0  }
0xa6: {  	s25 =	simm.s32 $0x1B8E;
	[sflag:s24] =	ssyncadd.s32 $0xFFFFFFFF  }
0xa7: {  	s26 =	simm.s32 $execute0_lowered;
	[smem:$0x3FD2] =	sst s25  }
0xa8: {  	s6 =	sshll.u32 s26, $0x1;
	_ =	strace $0x80000046;
	[dreg:$0x1] =	wrdreg $0xFFFFFFFF  }
0xa9: {  	s28 =	simm.s32 $_size_execute0_lowered;
	s5 =	sadd.s32 s5, s6;
	[dreg:$0x0] =	wrdreg $0x0  }
0xaa: {  	s6 =	sshll.u32 s28, $0x1;
	[dreg:$0x2] =	wrdreg s5  }
0xab: {  	[dreg:$0x3] =	wrdreg s6  }
0xac: {  	[dreg:$0x4] =	wrdreg $0xC0  }
0xad: {  	_ =	task [dreg:s9], $0x5FFFF  }
0xae: {  	[dreg:$0x1] =	wrdreg $0xFFFFFFFF  }
0xaf: {  	[dreg:$0x0] =	wrdreg $0x60  }
0xb0: {  	[dreg:$0x2] =	wrdreg s2  }
0xb1: {  	[dreg:$0x3] =	wrdreg s19  }
0xb2: {  	[dreg:$0x4] =	wrdreg s4  }
0xb3: {  	[dreg:$0x5] =	wrdreg $0x0  }
0xb4: {  	[dreg:$0x6] =	wrdreg $0x9  }
0xb5: {  	_ =	task.clear_ibuf [dreg:s9], $0x7FFFF;
	_ =	strace $0x90000046  }
0xb6: {  	s29 =	simm.s32 $0x9;
	_ =	strace $0x80000048  }
0xb7: {  	_ =	swait.ge [sflag:s29], $0x1  }
0xb8: {  	[sflag:s29] =	ssyncadd.s32 $0xFFFFFFFF  }
0xb9: {  	_ =	strace $0x90000048  }
0xba: {  	_ =	sfence  }
0xbb: {  	s30 =	sld [smem:$0x0];
	_ =	sdelay $0x2  }
0xbc: {  	s31 =	sshll.u32 s1, $0xD;
	s1 =	sshrl.u32 s1, $0x2  }
0xbd: {  	s3 =	sand.u32 $0x4000, s31;
	s1 =	sadd.s32 s1, s30  }
0xbe: {  	s0 =	sor.u32 s3, s0;
	s1 =	sshll.u32 s1, $0x11  }
0xbf: {  	s0 =	sor.u32 s1, s0  }
0xc0: {  	s0 =	sadd.s32 $0x8F2B, s0  }
0xc1: {  	[sflag:s0] =	ssyncadd.remote.s32 $0x1  }
0xc2: {  	_ =	sfence.sel $0xFFFF  }
0xc3: {  	[dreg:$0x0] =	wrdreg $0xFFFFFFFF;
	(pc) =	sbr.abs _section_cstart, $3  }
0xc4: {  	[dreg:$0x1] =	wrdreg $0xFFFFFFFF  }
0xc5: {  	_ =	task.clear_ibuf [dreg:s9], $0x2FFFF;
	_ =	strace $0x9FFFFFFF  }
0xc6: {  	(tm) =	ssettm $0x7FFFFFFF  }
0xc7: {  	_ =	shalt  }
tec
execute0_lowered:
.L_overlay_start_1:
0x0: {  	(tag) =	ssettag $0x1  }
0x1: {  	s0 =	srdreg.scid;
	s3 =	rddreg [dreg:$0x0]  }
0x2: {  	s4 =	stileid.u32;
	s1 =	rddreg [dreg:$0x1]  }
0x3: {  	s12 =	rddreg [dreg:$0x2];
	s29 =	sand.u32 $0x1, s0;
	s31 =	sshll.u32 s4, $0x1  }
0x4: {  	[dreg:$0x5] =	wrdreg s1;
	s0 =	sor.u32 s29, s31  }
0x5: {  	s2 =	simm.s32 $0x0;
	s1 =	rddreg [dreg:$0x3];
	s0 =	smul.u32 $0xC35, s0  }
0x6: {  	[smem:$0x7FF] =	sst s2  }
0x7: {  	p0 =	sne.s32 s4, $0x0;
	s4 =	simm.s32 $0xA0;
	s5 =	sand.u32 $0x1FFF8, s0  }
0x8: {  	s6 =	simm.s32 @!p0 $0x1C06;
	s7 =	simm.s32 @!p0 $0x6;
	s13 =	smin.u32 s5, $0x17A60  }
0x9: {  	s0 =	rddreg [dreg:$0x4];
	_ =	strace $0x80000047;
	s5 =	sshrl.u32 s13, $0x3  }
0xa: {  	s8 =	rddreg [dreg:$0x5];
	s3 =	sadd.s32 s3, s5;
	s5 =	sshrl.u32 @!p0 s1, $0x3  }
0xb: {  	[tilespmem:s4], [sflag:$0x1] =	stream.linear.gather [hbm4b:s3+s2], $0xC40, $0x38;
	[tilespmem:$0x1CD20] =	vst v63  }
0xc: {  	[spmem:s5], [sflag:s6] =	dma.local @!p0 [hbm:s8], $0x140  }
0xd: {  	_ =	swait.ge @!p0 [sflag:s7], $0x140  }
0xe: {  	[sflag:s7] =	ssyncset.done @!p0 $0x0  }
0xf: {  	[sflag:s7] =	ssyncadd.s32 @!p0 $0xFFFFFEC0  }
0x10: {  	s8 =	simm.s32 $0x1;
	[bflag:$0x0] =	sbarrier.arrive $0xFFFF  }
0x11: {  	_ =	swait.ge [sflag:s8], $0xC40  }
0x12: {  	s9 =	simm.s32 $0x1C0;
	[sflag:s8] =	ssyncset.done $0x0  }
0x13: {  	s10 =	simm.s32 $0xD20;
	s11 =	simm.s32 $0x2;
	[sflag:s8] =	ssyncadd.s32 $0xFFFFF3C0  }
0x14: {  	[tilespmem:s10], [sflag:$0x2] =	stream.indirect.gather [spmem:s1], $0x80, s4, s9, $0xb8;
	[tilespmem:$0x1CD20] =	vst v63  }
0x15: {  	_ =	swait.ge [sflag:s11], $0xE000  }
0x16: {  	s13 =	sshll.u32 s13, $0x4;
	[sflag:s11] =	ssyncset.done $0x0  }
0x17: {  	s12 =	sadd.s32 s12, s13;
	[sflag:s11] =	ssyncadd.s32 $0xFFFF2000  }
0x18: {  	[hbm4b:s12+s2] =	stream.linear.scatter [tilespmem:s10], [sflag:$0x4], $0xE000, $0x38;
	[tilespmem:$0x1CD20] =	vst v63  }
0x19: {  	s14 =	simm.s32 $0xED20;
	s15 =	simm.s32 $0x3;
	s13 =	simm.s32 $0x260  }
0x1a: {  	[tilespmem:s14], [sflag:$0x3] =	stream.indirect.gather [spmem:s1], $0x80, s13, s9, $0xb8;
	[tilespmem:$0x1CD20] =	vst v63  }
0x1b: {  	_ =	swait.ge [sflag:s15], $0xE000  }
0x1c: {  	[sflag:s15] =	ssyncset.done $0x0  }
0x1d: {  	s17 =	simm.s32 $0x4;
	s16 =	sadd.s32 $0x1C00, s12;
	[sflag:s15] =	ssyncadd.s32 $0xFFFF2000  }
0x1e: {  	[hbm4b:s16+s2] =	stream.linear.scatter [tilespmem:s14], [sflag:$0x5], $0xE000, $0x38;
	[tilespmem:$0x1CD20] =	vst v63  }
0x1f: {  	_ =	swait.ge [sflag:s17], $0xE000  }
0x20: {  	[sflag:s17] =	ssyncset.done $0x0  }
0x21: {  	s18 =	simm.s32 $0x420;
	[sflag:s17] =	ssyncadd.s32 $0xFFFF2000  }
0x22: {  	[tilespmem:s10], [sflag:$0x2] =	stream.indirect.gather [spmem:s1], $0x80, s18, s9, $0xb8;
	[tilespmem:$0x1CD20] =	vst v63  }
0x23: {  	_ =	swait.ge [sflag:s11], $0xE000  }
0x24: {  	[sflag:s11] =	ssyncset.done $0x0  }
0x25: {  	s19 =	simm.s32 $0x5;
	s20 =	sadd.s32 $0x3800, s12;
	[sflag:s11] =	ssyncadd.s32 $0xFFFF2000  }
0x26: {  	[hbm4b:s20+s2] =	stream.linear.scatter [tilespmem:s10], [sflag:$0x4], $0xE000, $0x38;
	[tilespmem:$0x1CD20] =	vst v63  }
0x27: {  	_ =	swait.ge [sflag:s19], $0xE000  }
0x28: {  	[sflag:s19] =	ssyncset.done $0x0  }
0x29: {  	s21 =	simm.s32 $0x5E0;
	[sflag:s19] =	ssyncadd.s32 $0xFFFF2000  }
0x2a: {  	[tilespmem:s14], [sflag:$0x3] =	stream.indirect.gather [spmem:s1], $0x80, s21, s9, $0xb8;
	[tilespmem:$0x1CD20] =	vst v63  }
0x2b: {  	_ =	swait.ge [sflag:s15], $0xE000  }
0x2c: {  	[sflag:s15] =	ssyncset.done $0x0  }
0x2d: {  	s22 =	sadd.s32 $0x5400, s12;
	[sflag:s15] =	ssyncadd.s32 $0xFFFF2000  }
0x2e: {  	[hbm4b:s22+s2] =	stream.linear.scatter [tilespmem:s14], [sflag:$0x5], $0xE000, $0x38;
	[tilespmem:$0x1CD20] =	vst v63  }
0x2f: {  	_ =	swait.ge [sflag:s17], $0xE000  }
0x30: {  	[sflag:s17] =	ssyncset.done $0x0  }
0x31: {  	s23 =	simm.s32 $0x7A0;
	[sflag:s17] =	ssyncadd.s32 $0xFFFF2000  }
0x32: {  	[tilespmem:s10], [sflag:$0x2] =	stream.indirect.gather [spmem:s1], $0x80, s23, s9, $0xb8;
	[tilespmem:$0x1CD20] =	vst v63  }
0x33: {  	_ =	swait.ge [sflag:s11], $0xE000  }
0x34: {  	[sflag:s11] =	ssyncset.done $0x0  }
0x35: {  	s24 =	sadd.s32 $0x7000, s12;
	[sflag:s11] =	ssyncadd.s32 $0xFFFF2000  }
0x36: {  	[hbm4b:s24+s2] =	stream.linear.scatter [tilespmem:s10], [sflag:$0x4], $0xE000, $0x38;
	[tilespmem:$0x1CD20] =	vst v63  }
0x37: {  	_ =	swait.ge [sflag:s19], $0xE000  }
0x38: {  	[sflag:s19] =	ssyncset.done $0x0  }
0x39: {  	s25 =	simm.s32 $0x960;
	[sflag:s19] =	ssyncadd.s32 $0xFFFF2000  }
0x3a: {  	[tilespmem:s14], [sflag:$0x3] =	stream.indirect.gather [spmem:s1], $0x80, s25, s9, $0xb8;
	[tilespmem:$0x1CD20] =	vst v63  }
0x3b: {  	_ =	swait.ge [sflag:s15], $0xE000  }
0x3c: {  	[sflag:s15] =	ssyncset.done $0x0  }
0x3d: {  	s26 =	sadd.s32 $0x8C00, s12;
	[sflag:s15] =	ssyncadd.s32 $0xFFFF2000  }
0x3e: {  	[hbm4b:s26+s2] =	stream.linear.scatter [tilespmem:s14], [sflag:$0x5], $0xE000, $0x38;
	[tilespmem:$0x1CD20] =	vst v63  }
0x3f: {  	s30 =	ssub.s32 $0x2, s29;
	_ =	swait.ge [sflag:s17], $0xE000  }
0x40: {  	s31 =	sshrl.u32 s30, $0x1;
	[sflag:s17] =	ssyncset.done $0x0  }
0x41: {  	s28 =	simm.s32 $0xB20;
	s30 =	ssub.s32 s30, s31;
	[sflag:s17] =	ssyncadd.s32 $0xFFFF2000  }
0x42: {  	[tilespmem:s10], [sflag:$0x2] =	stream.indirect.gather [spmem:s1], $0x80, s28, s9, $0xb8;
	[tilespmem:$0x1CD20] =	vst v63  }
0x43: {  	s30 =	smax.u32 s30, $0x1;
	_ =	swait.ge [sflag:s11], $0xE000  }
0x44: {  	s30 =	sadd.s32 $0xFFFFFFFF, s30;
	[sflag:s11] =	ssyncset.done $0x0  }
0x45: {  	p1 =	sne.s32 s30, $0x0;
	s29 =	sadd.s32 $0xA800, s12;
	[sflag:s11] =	ssyncadd.s32 $0xFFFF2000  }
0x46: {  	[hbm4b:s29+s2] =	stream.linear.scatter [tilespmem:s10], [sflag:$0x4], $0xE000, $0x38;
	[tilespmem:$0x1CD20] =	vst v63  }
.Ltmp0:
0x47: {  	_ =	swait.ge [sflag:s17], $0xE000;
	(pc) =	sbr.rel @!p1 .LBB2_2-.Ltmp0, $4  }
0x48: {  	[sflag:s17] =	ssyncset.done $0x0  }
0x49: {  	[sflag:s17] =	ssyncadd.s32 $0xFFFF2000  }
0x4a: {  	_ =	swait.ge [sflag:s19], $0xE000  }
0x4b: {  	[sflag:s19] =	ssyncset.done $0x0  }
.LBB2_1:
0x4c: {  	s31 =	rddreg [dreg:$0x5];
	[sflag:s19] =	ssyncadd.s32 $0xFFFF2000  }
0x4d: {  	[tilespmem:s4], [sflag:$0x1] =	stream.linear.gather [hbm4b:s3+s2], $0xC40, $0x38;
	[tilespmem:$0x1CD20] =	vst v63  }
0x4e: {  	[spmem:s5], [sflag:s6] =	dma.local @!p0 [hbm:s31], $0x140  }
0x4f: {  	_ =	swait.ge @!p0 [sflag:s7], $0x140  }
0x50: {  	[sflag:s7] =	ssyncset.done @!p0 $0x0  }
0x51: {  	[sflag:s7] =	ssyncadd.s32 @!p0 $0xFFFFFEC0  }
0x52: {  	[bflag:$0x0] =	sbarrier.arrive $0xFFFF  }
0x53: {  	_ =	swait.ge [sflag:s8], $0xC40  }
0x54: {  	[sflag:s8] =	ssyncset.done $0x0  }
0x55: {  	[sflag:s8] =	ssyncadd.s32 $0xFFFFF3C0  }
0x56: {  	[tilespmem:s10], [sflag:$0x2] =	stream.indirect.gather [spmem:s1], $0x80, s4, s9, $0xb8;
	[tilespmem:$0x1CD20] =	vst v63  }
0x57: {  	_ =	swait.ge [sflag:s11], $0xE000  }
0x58: {  	[sflag:s11] =	ssyncset.done $0x0  }
0x59: {  	[sflag:s11] =	ssyncadd.s32 $0xFFFF2000  }
0x5a: {  	[hbm4b:s12+s2] =	stream.linear.scatter [tilespmem:s10], [sflag:$0x4], $0xE000, $0x38;
	[tilespmem:$0x1CD20] =	vst v63  }
0x5b: {  	_ = 	snop  }
0x5c: {  	[tilespmem:s14], [sflag:$0x3] =	stream.indirect.gather [spmem:s1], $0x80, s13, s9, $0xb8;
	[tilespmem:$0x1CD20] =	vst v63  }
0x5d: {  	_ =	swait.ge [sflag:s15], $0xE000  }
0x5e: {  	[sflag:s15] =	ssyncset.done $0x0  }
0x5f: {  	[sflag:s15] =	ssyncadd.s32 $0xFFFF2000  }
0x60: {  	[hbm4b:s16+s2] =	stream.linear.scatter [tilespmem:s14], [sflag:$0x5], $0xE000, $0x38;
	[tilespmem:$0x1CD20] =	vst v63  }
0x61: {  	_ =	swait.ge [sflag:s17], $0xE000  }
0x62: {  	[sflag:s17] =	ssyncset.done $0x0  }
0x63: {  	[sflag:s17] =	ssyncadd.s32 $0xFFFF2000  }
0x64: {  	[tilespmem:s10], [sflag:$0x2] =	stream.indirect.gather [spmem:s1], $0x80, s18, s9, $0xb8;
	[tilespmem:$0x1CD20] =	vst v63  }
0x65: {  	_ =	swait.ge [sflag:s11], $0xE000  }
0x66: {  	[sflag:s11] =	ssyncset.done $0x0  }
0x67: {  	[sflag:s11] =	ssyncadd.s32 $0xFFFF2000  }
0x68: {  	[hbm4b:s20+s2] =	stream.linear.scatter [tilespmem:s10], [sflag:$0x4], $0xE000, $0x38;
	[tilespmem:$0x1CD20] =	vst v63  }
0x69: {  	_ =	swait.ge [sflag:s19], $0xE000  }
0x6a: {  	[sflag:s19] =	ssyncset.done $0x0  }
0x6b: {  	[sflag:s19] =	ssyncadd.s32 $0xFFFF2000  }
0x6c: {  	[tilespmem:s14], [sflag:$0x3] =	stream.indirect.gather [spmem:s1], $0x80, s21, s9, $0xb8;
	[tilespmem:$0x1CD20] =	vst v63  }
0x6d: {  	_ =	swait.ge [sflag:s15], $0xE000  }
0x6e: {  	[sflag:s15] =	ssyncset.done $0x0  }
0x6f: {  	[sflag:s15] =	ssyncadd.s32 $0xFFFF2000  }
0x70: {  	[hbm4b:s22+s2] =	stream.linear.scatter [tilespmem:s14], [sflag:$0x5], $0xE000, $0x38;
	[tilespmem:$0x1CD20] =	vst v63  }
0x71: {  	_ =	swait.ge [sflag:s17], $0xE000  }
0x72: {  	[sflag:s17] =	ssyncset.done $0x0  }
0x73: {  	[sflag:s17] =	ssyncadd.s32 $0xFFFF2000  }
0x74: {  	[tilespmem:s10], [sflag:$0x2] =	stream.indirect.gather [spmem:s1], $0x80, s23, s9, $0xb8;
	[tilespmem:$0x1CD20] =	vst v63  }
0x75: {  	_ =	swait.ge [sflag:s11], $0xE000  }
0x76: {  	[sflag:s11] =	ssyncset.done $0x0  }
0x77: {  	[sflag:s11] =	ssyncadd.s32 $0xFFFF2000  }
0x78: {  	[hbm4b:s24+s2] =	stream.linear.scatter [tilespmem:s10], [sflag:$0x4], $0xE000, $0x38;
	[tilespmem:$0x1CD20] =	vst v63  }
0x79: {  	_ =	swait.ge [sflag:s19], $0xE000  }
0x7a: {  	[sflag:s19] =	ssyncset.done $0x0  }
0x7b: {  	[sflag:s19] =	ssyncadd.s32 $0xFFFF2000  }
0x7c: {  	[tilespmem:s14], [sflag:$0x3] =	stream.indirect.gather [spmem:s1], $0x80, s25, s9, $0xb8;
	[tilespmem:$0x1CD20] =	vst v63  }
0x7d: {  	_ =	swait.ge [sflag:s15], $0xE000  }
0x7e: {  	[sflag:s15] =	ssyncset.done $0x0  }
0x7f: {  	[sflag:s15] =	ssyncadd.s32 $0xFFFF2000  }
0x80: {  	[hbm4b:s26+s2] =	stream.linear.scatter [tilespmem:s14], [sflag:$0x5], $0xE000, $0x38;
	[tilespmem:$0x1CD20] =	vst v63  }
0x81: {  	_ =	swait.ge [sflag:s17], $0xE000  }
0x82: {  	[sflag:s17] =	ssyncset.done $0x0  }
0x83: {  	[sflag:s17] =	ssyncadd.s32 $0xFFFF2000  }
0x84: {  	[tilespmem:s10], [sflag:$0x2] =	stream.indirect.gather [spmem:s1], $0x80, s28, s9, $0xb8;
	[tilespmem:$0x1CD20] =	vst v63  }
0x85: {  	_ =	swait.ge [sflag:s11], $0xE000  }
0x86: {  	s30 =	sadd.s32 $0xFFFFFFFF, s30;
	[sflag:s11] =	ssyncset.done $0x0  }
0x87: {  	p1 =	sne.s32 s30, $0x0;
	[sflag:s11] =	ssyncadd.s32 $0xFFFF2000  }
0x88: {  	[hbm4b:s29+s2] =	stream.linear.scatter [tilespmem:s10], [sflag:$0x4], $0xE000, $0x38;
	[tilespmem:$0x1CD20] =	vst v63  }
.Ltmp1:
0x89: {  	_ =	swait.ge [sflag:s17], $0xE000;
	(pc) =	sbr.rel @p1 .LBB2_1-.Ltmp1, $4  }
0x8a: {  	[sflag:s17] =	ssyncset.done $0x0  }
0x8b: {  	[sflag:s17] =	ssyncadd.s32 $0xFFFF2000  }
0x8c: {  	_ =	swait.ge [sflag:s19], $0xE000  }
0x8d: {  	[sflag:s19] =	ssyncset.done $0x0  }
.LBB2_2:
0x8e: {  	[sflag:s19] =	ssyncadd.s32 $0xFFFF2000  }
0x8f: {  	_ =	sfence.sel $0x180000  }
0x90: {  	[bflag:$0x0] =	sbarrier.arrive $0xFFFF  }
0x91: {  	_ =	strace $0x90000047  }
0x92: {  	s0 =	sadd.s32 @!p0 $0x100000, s0;
	[bflag:$0x2] =	sbarrier.arrive $0xFFFF  }
0x93: {  	[sflag:s0] =	ssyncadd.tile.s32 @!p0 $0x1;
	_ =	shalt  }
.Lfunc_end2:
_tile_overlayer_lowered:
.L_overlay_start_2:
0x94: {  	(tag) =	ssettag $0x2  }
0x95: {  	s0 =	rddreg [dreg:$0x0];
	s2 =	stileid.u32  }
0x96: {  	s1 =	rddreg [dreg:$0x1];
	p0 =	sne.s32 s2, $0x0  }
0x97: {  	s3 =	rddreg [dreg:$0x2];
	[bflag:$0x3] =	sbarrier.arrive $0xFFFF;
	s2 =	simm.s32 @!p0 $0x1C06  }
0x98: {  	[timem:s3], [sflag:s2] =	dma.local @!p0 [hbm:s0], s1  }
0x99: {  	s0 =	simm.s32 @!p0 $0x6  }
0x9a: {  	_ =	swait.ge @!p0 [sflag:s0], s1  }
0x9b: {  	s1 =	ssub.s32 @!p0 $0x0, s1;
	[sflag:s0] =	ssyncset.done @!p0 $0x0  }
0x9c: {  	[sflag:s0] =	ssyncadd.s32 @!p0 s1  }
0x9d: {  	[bflag:$0x3] =	sbarrier.arrive $0xFFFF  }
0x9e: {  	_ =	shalt  }

</sc_bundles>
